<compile_context>
chip_gen: v7x
topology: tpu7x:2x2x1
jax: 0.10.2.dev20260603
libtpu: 0.0.44.dev20260713+nightly
codegen_flags: <defaults>
</compile_context>

<pallas_src>
import functools

import jax
import jax.numpy as jnp
from jax import lax
from jax.experimental import pallas as pl
from jax.experimental.pallas import tpu as pltpu
from jax.experimental.pallas import tpu_sc as plsc

VOCAB = 100000
EMB = 64
SEQ = 200
BATCH = 1024
B = BATCH * SEQ

NC, NS, L = 2, 16, 16
NW = NC * NS
ROWS_PER_W = B // NW
CHUNK = 800
NCHUNK = ROWS_PER_W // CHUNK


def _comb_body(seg_ref, pos_ref, out_ref):
    seg = seg_ref[...]
    pos = pos_ref[...]
    out_ref[...] = (seg[:, None, :] + pos[None, :, :]).reshape(3 * SEQ, EMB)


def _make_comb(seg_table, pos_emb):
    return pl.pallas_call(
        _comb_body,
        out_shape=jax.ShapeDtypeStruct((3 * SEQ, EMB), jnp.float32),
    )(seg_table, pos_emb)


_mesh = plsc.VectorSubcoreMesh(core_axis_name="c", subcore_axis_name="s")


@functools.partial(
    pl.kernel,
    mesh=_mesh,
    compiler_params=pltpu.CompilerParams(use_tc_tiling_on_sc=False),
    out_type=jax.ShapeDtypeStruct((B, EMB), jnp.float32),
    scratch_types=[
        pltpu.VMEM((CHUNK,), jnp.int32),
        pltpu.VMEM((CHUNK,), jnp.int32),
        pltpu.VMEM((CHUNK,), jnp.int32),
        pltpu.VMEM((CHUNK,), jnp.int32),
        pltpu.VMEM((CHUNK,), jnp.int32),
        pltpu.VMEM((CHUNK,), jnp.int32),
        pltpu.VMEM((CHUNK, EMB), jnp.float32),
        pltpu.VMEM((CHUNK, EMB), jnp.float32),
        pltpu.SemaphoreType.DMA,
        pltpu.SemaphoreType.DMA,
        pltpu.SemaphoreType.DMA,
        pltpu.SemaphoreType.DMA,
        pltpu.SemaphoreType.DMA,
        pltpu.SemaphoreType.DMA,
    ],
)
def _sc_embed(inp_hbm, seg_hbm, tok_hbm, comb_hbm, out_hbm,
              idx0, idx1, seg0, seg1, cidx0, cidx1, tb0, tb1,
              semt0, semt1, sema0, sema1, semw0, semw1):
    idx = (idx0, idx1)
    seg = (seg0, seg1)
    cidx = (cidx0, cidx1)
    tb = (tb0, tb1)
    semt = (semt0, semt1)
    sema = (sema0, sema1)
    semw = (semw0, semw1)

    wid = lax.axis_index("s") * NC + lax.axis_index("c")
    base = wid * ROWS_PER_W

    def stage(c, p):
        off = base + c * CHUNK
        pltpu.sync_copy(inp_hbm.at[pl.ds(off, CHUNK)], idx[p])
        pltpu.sync_copy(seg_hbm.at[pl.ds(off, CHUNK)], seg[p])

        def cidx_body(i, _):
            s = seg[p][pl.ds(i * L, L)]
            pos = (i * L + lax.iota(jnp.int32, L)) % SEQ
            cidx[p][pl.ds(i * L, L)] = s * SEQ + pos
            return 0

        lax.fori_loop(0, CHUNK // L, cidx_body, 0)
        return pltpu.async_copy(tok_hbm.at[idx[p]], tb[p], semt[p])

    tok_cp = [None, None]
    wb_cp = [None, None]
    tok_cp[0] = stage(0, 0)
    for c in range(NCHUNK):
        p = c % 2
        q = p ^ 1
        tok_cp[p].wait()
        add_cp = pltpu.async_copy(comb_hbm.at[cidx[p]], tb[p], sema[p], add=True)
        if c + 1 < NCHUNK:
            if wb_cp[q] is not None:
                wb_cp[q].wait()
            tok_cp[q] = stage(c + 1, q)
        add_cp.wait()
        wb_cp[p] = pltpu.async_copy(tb[p], out_hbm.at[pl.ds(base + c * CHUNK, CHUNK)],
                                    semw[p])
    wb_cp[0].wait()
    wb_cp[1].wait()


def kernel(input, segment_label, tok_table, seg_table, pos_emb):
    comb = _make_comb(seg_table, pos_emb)
    out = _sc_embed(input.reshape(-1), segment_label.reshape(-1),
                    tok_table, comb)
    return out.reshape(BATCH, SEQ, EMB)

# --- scband reference (transcript-rebuilt; emitter-appended) ---
"""Pipeline reference for scband-bertembedding-68032281968943 (READ-ONLY COPY).

The authoritative reference and input builder live on the scoring server;
editing this copy changes nothing except your own understanding.
"""

import jax, jax.numpy as jnp
import numpy as np

VOCAB = 100000
EMB = 64
SEQ = 200
BATCH = 1024


def _sinusoidal_pe(seq_len, d_model):
    pos = np.arange(seq_len, dtype=np.float32)[:, None]
    i = np.arange(0, d_model, 2, dtype=np.float32)[None, :]
    div = np.exp(-(np.log(10000.0)) * (i / d_model))
    pe = np.zeros((seq_len, d_model), dtype=np.float32)
    pe[:, 0::2] = np.sin(pos * div)
    pe[:, 1::2] = np.cos(pos * div)
    return jnp.asarray(pe)


def setup_inputs(seed: int = 0) -> dict:
    key = jax.random.key(seed)
    k1, k2, k3, k4 = jax.random.split(key, 4)
    inp = jax.random.randint(k1, (BATCH, SEQ), 0, VOCAB, dtype=jnp.int64 if jax.config.jax_enable_x64 else jnp.int32).astype(jnp.int32)
    seg = jax.random.randint(k2, (BATCH, SEQ), 0, 3, dtype=jnp.int32)
    tok_table = jax.random.normal(k3, (VOCAB, EMB), dtype=jnp.float32) * 0.02
    tok_table = tok_table.at[0].set(0.0)  # padding_idx=0
    seg_table = jax.random.normal(k4, (3, EMB), dtype=jnp.float32) * 0.02
    pos_emb = _sinusoidal_pe(SEQ, EMB)
    return {"input": inp, "segment_label": seg, "tok_table": tok_table, "seg_table": seg_table, "pos_emb": pos_emb}


def reference(input, segment_label, tok_table, seg_table, pos_emb):
    # TokenEmbedding lookup (padding_idx=0 row already zeroed)
    tok = jnp.take(tok_table, input, axis=0)            # [B, S, E]
    # PositionalEmbedding: sinusoidal, broadcast over batch
    pos = pos_emb[None, : input.shape[1], :]            # [1, S, E]
    # Segment embedding lookup
    seg = jnp.take(seg_table, segment_label, axis=0)    # [B, S, E]
    # Dropouts are identity in eval mode
    return tok + seg + pos

if __name__ == "__main__":
    import jax
    _d = setup_inputs()
    print(jax.jit(kernel)(*tuple(_d.values())))

</pallas_src>

<mosaic_0001>
#map = affine_map<(d0, d1) -> (0)>
#map1 = affine_map<(d0, d1) -> (0, 0)>
module attributes {stable_mosaic.version = 14 : i64} {
  func.func @_sc_embed(%arg0: i32, %arg1: i32, %arg2: memref<204800xi32, #tpu.memory_space<hbm>>, %arg3: memref<204800xi32, #tpu.memory_space<hbm>>, %arg4: memref<100000x64xf32, #tpu.memory_space<hbm>>, %arg5: memref<600x64xf32, #tpu.memory_space<hbm>>, %arg6: memref<204800x64xf32, #tpu.memory_space<hbm>>, %arg7: memref<800xi32, #tpu.memory_space<vmem>>, %arg8: memref<800xi32, #tpu.memory_space<vmem>>, %arg9: memref<800xi32, #tpu.memory_space<vmem>>, %arg10: memref<800xi32, #tpu.memory_space<vmem>>, %arg11: memref<800xi32, #tpu.memory_space<vmem>>, %arg12: memref<800xi32, #tpu.memory_space<vmem>>, %arg13: memref<800x64xf32, #tpu.memory_space<vmem>>, %arg14: memref<800x64xf32, #tpu.memory_space<vmem>>, %arg15: memref<!tpu.dma_semaphore, #tpu.memory_space<semaphore_mem>>, %arg16: memref<!tpu.dma_semaphore, #tpu.memory_space<semaphore_mem>>, %arg17: memref<!tpu.dma_semaphore, #tpu.memory_space<semaphore_mem>>, %arg18: memref<!tpu.dma_semaphore, #tpu.memory_space<semaphore_mem>>, %arg19: memref<!tpu.dma_semaphore, #tpu.memory_space<semaphore_mem>>, %arg20: memref<!tpu.dma_semaphore, #tpu.memory_space<semaphore_mem>>) attributes {dimension_semantics = [#tpu.dimension_semantics<core_parallel>, #tpu.dimension_semantics<subcore_parallel>], iteration_bounds = array<i64: 2, 16>, scalar_prefetch = 0 : i64, scratch_operands = 14 : i64, tpu.core_type = #tpu.core_type<sc_vector_subcore>, window_params = [{transform_indices = #map}, {transform_indices = #map}, {transform_indices = #map1}, {transform_indices = #map1}, {transform_indices = #map1}]} {
    %mul3A = arith.constant 2 : i32
    %mul3A_0 = arith.muli %arg1, %mul3A : i32
    %add3A = arith.addi %mul3A_0, %arg0 : i32
    %mul3A_1 = arith.constant 6400 : i32
    %mul3A_2 = arith.muli %add3A, %mul3A_1 : i32
    %add3A_3 = arith.constant 0 : i32
    %add3A_4 = arith.addi %mul3A_2, %add3A_3 : i32
    "tpu.region"() ({
      %run_scoped3A = tpu.sem_alloc : memref<!tpu.dma_semaphore, #tpu.memory_space<semaphore_mem>>
      %dma_start3A_248 = tpu.memref_slice %arg2[%add3A_4] : memref<204800xi32, #tpu.memory_space<hbm>> -> memref<800xi32, #tpu.memory_space<hbm>>
      %dma_start3A_249 = tpu.memref_slice %arg2[%add3A_4] : memref<204800xi32, #tpu.memory_space<hbm>> -> memref<800xi32, #tpu.memory_space<hbm>>
      tpu.enqueue_dma source(%dma_start3A_249 : memref<800xi32, #tpu.memory_space<hbm>>) target(%arg7 : memref<800xi32, #tpu.memory_space<vmem>>) target_semaphore(%run_scoped3A : memref<!tpu.dma_semaphore, #tpu.memory_space<semaphore_mem>>)
      %dma_wait3A_250 = tpu.memref_slice %arg2[%add3A_4] : memref<204800xi32, #tpu.memory_space<hbm>> -> memref<800xi32, #tpu.memory_space<hbm>>
      %dma_wait3A_251 = tpu.memref_slice %arg2[%add3A_4] : memref<204800xi32, #tpu.memory_space<hbm>> -> memref<800xi32, #tpu.memory_space<hbm>>
      tpu.wait_dma2 semaphore(%run_scoped3A : memref<!tpu.dma_semaphore, #tpu.memory_space<semaphore_mem>>) src(%dma_wait3A_251 : memref<800xi32, #tpu.memory_space<hbm>>) dst(%arg7 : memref<800xi32, #tpu.memory_space<vmem>>)
      tpu.yield
    }) : () -> ()
    "tpu.region"() ({
      %run_scoped3A = tpu.sem_alloc : memref<!tpu.dma_semaphore, #tpu.memory_space<semaphore_mem>>
      %dma_start3A_248 = tpu.memref_slice %arg3[%add3A_4] : memref<204800xi32, #tpu.memory_space<hbm>> -> memref<800xi32, #tpu.memory_space<hbm>>
      %dma_start3A_249 = tpu.memref_slice %arg3[%add3A_4] : memref<204800xi32, #tpu.memory_space<hbm>> -> memref<800xi32, #tpu.memory_space<hbm>>
      tpu.enqueue_dma source(%dma_start3A_249 : memref<800xi32, #tpu.memory_space<hbm>>) target(%arg9 : memref<800xi32, #tpu.memory_space<vmem>>) target_semaphore(%run_scoped3A : memref<!tpu.dma_semaphore, #tpu.memory_space<semaphore_mem>>)
      %dma_wait3A_250 = tpu.memref_slice %arg3[%add3A_4] : memref<204800xi32, #tpu.memory_space<hbm>> -> memref<800xi32, #tpu.memory_space<hbm>>
      %dma_wait3A_251 = tpu.memref_slice %arg3[%add3A_4] : memref<204800xi32, #tpu.memory_space<hbm>> -> memref<800xi32, #tpu.memory_space<hbm>>
      tpu.wait_dma2 semaphore(%run_scoped3A : memref<!tpu.dma_semaphore, #tpu.memory_space<semaphore_mem>>) src(%dma_wait3A_251 : memref<800xi32, #tpu.memory_space<hbm>>) dst(%arg9 : memref<800xi32, #tpu.memory_space<vmem>>)
      tpu.yield
    }) : () -> ()
    %scan3A = arith.constant 0 : i32
    %scan3A_5 = arith.constant 0 : i32
    %scan3A_6 = arith.constant 50 : i32
    %scan3A_7 = arith.addi %scan3A_5, %scan3A_6 : i32
    %scan3A_8 = arith.constant 1 : i32
    %scan3A_9 = scf.for %scan3A_248 = %scan3A_5 to %scan3A_7 step %scan3A_8 iter_args(%scan3A_249 = %scan3A) -> (i32)  : i32 {
      %mul3A_250 = arith.constant 16 : i32
      %mul3A_251 = arith.muli %scan3A_248, %mul3A_250 : i32
      %get3A = arith.index_cast %mul3A_251 : i32 to index
      %get3A_252 = tpu.vector_load %arg9[%get3A] {strides = array<i32>} : memref<800xi32, #tpu.memory_space<vmem>>, vector<16xi32>,
      %get3A_253 = vector.shape_cast %get3A_252 : vector<16xi32> to vector<16xi32>
      %mul3A_254 = arith.constant 16 : i32
      %mul3A_255 = arith.muli %scan3A_248, %mul3A_254 : i32
      %iota3A = tpu.iota {dimensions = array<i32: 0>} : vector<16xi32>
      %add3A_256 = vector.broadcast %mul3A_255 : i32 to vector<16xi32>
      %add3A_257 = arith.addi %add3A_256, %iota3A : vector<16xi32>
      %jit3A = arith.constant 200 : i32
      %eq3A = arith.constant 0 : i32
      %eq3A_258 = arith.cmpi eq, %jit3A, %eq3A : i32
      %jit3A_259 = arith.constant 1 : i32
      %select_n3A = arith.select %eq3A_258, %jit3A_259, %jit3A : i32
      %rem3A = vector.broadcast %select_n3A : i32 to vector<16xi32>
      %rem3A_260 = arith.remsi %add3A_257, %rem3A : vector<16xi32>
      %ne3A = arith.constant 0 : i32
      %ne3A_261 = vector.broadcast %ne3A : i32 to vector<16xi32>
      %ne3A_262 = arith.cmpi ne, %rem3A_260, %ne3A_261 : vector<16xi32>
      %lt3A = arith.constant 0 : i32
      %lt3A_263 = vector.broadcast %lt3A : i32 to vector<16xi32>
      %lt3A_264 = arith.cmpi slt, %rem3A_260, %lt3A_263 : vector<16xi32>
      %lt3A_265 = arith.constant 0 : i32
      %lt3A_266 = arith.cmpi slt, %select_n3A, %lt3A_265 : i32
      %ne3A_267 = vector.broadcast %lt3A_266 : i1 to vector<16xi1>
      %ne3A_268 = vector.broadcast %ne3A_267 : vector<16xi1> to vector<16xi1>
      %ne3A_269 = arith.xori %lt3A_264, %ne3A_268 : vector<16xi1>
      %and3A = arith.andi %ne3A_269, %ne3A_262 : vector<16xi1>
      %add3A_270 = vector.broadcast %select_n3A : i32 to vector<16xi32>
      %add3A_271 = arith.addi %rem3A_260, %add3A_270 : vector<16xi32>
      %select_n3A_272 = arith.select %and3A, %add3A_271, %rem3A_260 : vector<16xi1>, vector<16xi32>
      %mul3A_273 = arith.constant 200 : i32
      %mul3A_274 = vector.broadcast %mul3A_273 : i32 to vector<16xi32>
      %mul3A_275 = arith.muli %get3A_253, %mul3A_274 : vector<16xi32>
      %add3A_276 = arith.addi %mul3A_275, %select_n3A_272 : vector<16xi32>
      %mul3A_277 = arith.constant 16 : i32
      %mul3A_278 = arith.muli %scan3A_248, %mul3A_277 : i32
      %swap3A = arith.index_cast %mul3A_278 : i32 to index
      %swap3A_279 = tpu.vector_load %arg11[%swap3A] {strides = array<i32>} : memref<800xi32, #tpu.memory_space<vmem>>, vector<16xi32>,
      %swap3A_280 = vector.shape_cast %swap3A_279 : vector<16xi32> to vector<16xi32>
      %swap3A_281 = vector.shape_cast %add3A_276 : vector<16xi32> to vector<16xi32>
      tpu.vector_store %arg11[%swap3A], %swap3A_281 {strides = array<i32>} : memref<800xi32, #tpu.memory_space<vmem>>, vector<16xi32>,
      %scan3A_282 = arith.constant 0 : i32
      scf.yield %scan3A_282 : i32
    }
    %scan3A_10 = arith.constant 50 : i32
    %dma_start3A = arith.constant 0 : i32
    %dma_start3A_11 = arith.constant 0 : i32
    %dma_start3A_12 = tpu.memref_slice %arg4[%dma_start3A, %dma_start3A_11] : memref<100000x64xf32, #tpu.memory_space<hbm>> -> memref<100000x64xf32, #tpu.memory_space<hbm>>
    tpu.enqueue_indirect_dma source(%dma_start3A_12 : memref<100000x64xf32, #tpu.memory_space<hbm>>) target(%arg13 : memref<800x64xf32, #tpu.memory_space<vmem>>) offsets(%arg7 : memref<800xi32, #tpu.memory_space<vmem>>) semaphore(%arg15 : memref<!tpu.dma_semaphore, #tpu.memory_space<semaphore_mem>>)
    %dma_wait3A = arith.constant 0 : i32
    %dma_wait3A_13 = arith.constant 0 : i32
    %dma_wait3A_14 = tpu.memref_slice %arg4[%dma_wait3A, %dma_wait3A_13] : memref<100000x64xf32, #tpu.memory_space<hbm>> -> memref<100000x64xf32, #tpu.memory_space<hbm>>
    tpu.wait_indirect_dma semaphore(%arg15 : memref<!tpu.dma_semaphore, #tpu.memory_space<semaphore_mem>>) src(%dma_wait3A_14 : memref<100000x64xf32, #tpu.memory_space<hbm>>) dst(%arg13 : memref<800x64xf32, #tpu.memory_space<vmem>>)
    %dma_start3A_15 = arith.constant 0 : i32
    %dma_start3A_16 = arith.constant 0 : i32
    %dma_start3A_17 = tpu.memref_slice %arg5[%dma_start3A_15, %dma_start3A_16] : memref<600x64xf32, #tpu.memory_space<hbm>> -> memref<600x64xf32, #tpu.memory_space<hbm>>
    tpu.enqueue_indirect_dma source(%dma_start3A_17 : memref<600x64xf32, #tpu.memory_space<hbm>>) target(%arg13 : memref<800x64xf32, #tpu.memory_space<vmem>>) offsets(%arg11 : memref<800xi32, #tpu.memory_space<vmem>>) semaphore(%arg17 : memref<!tpu.dma_semaphore, #tpu.memory_space<semaphore_mem>>) {add = true}
    %add3A_18 = arith.constant 800 : i32
    %add3A_19 = arith.addi %mul3A_2, %add3A_18 : i32
    "tpu.region"() ({
      %run_scoped3A = tpu.sem_alloc : memref<!tpu.dma_semaphore, #tpu.memory_space<semaphore_mem>>
      %dma_start3A_248 = tpu.memref_slice %arg2[%add3A_19] : memref<204800xi32, #tpu.memory_space<hbm>> -> memref<800xi32, #tpu.memory_space<hbm>>
      %dma_start3A_249 = tpu.memref_slice %arg2[%add3A_19] : memref<204800xi32, #tpu.memory_space<hbm>> -> memref<800xi32, #tpu.memory_space<hbm>>
      tpu.enqueue_dma source(%dma_start3A_249 : memref<800xi32, #tpu.memory_space<hbm>>) target(%arg8 : memref<800xi32, #tpu.memory_space<vmem>>) target_semaphore(%run_scoped3A : memref<!tpu.dma_semaphore, #tpu.memory_space<semaphore_mem>>)
      %dma_wait3A_250 = tpu.memref_slice %arg2[%add3A_19] : memref<204800xi32, #tpu.memory_space<hbm>> -> memref<800xi32, #tpu.memory_space<hbm>>
      %dma_wait3A_251 = tpu.memref_slice %arg2[%add3A_19] : memref<204800xi32, #tpu.memory_space<hbm>> -> memref<800xi32, #tpu.memory_space<hbm>>
      tpu.wait_dma2 semaphore(%run_scoped3A : memref<!tpu.dma_semaphore, #tpu.memory_space<semaphore_mem>>) src(%dma_wait3A_251 : memref<800xi32, #tpu.memory_space<hbm>>) dst(%arg8 : memref<800xi32, #tpu.memory_space<vmem>>)
      tpu.yield
    }) : () -> ()
    "tpu.region"() ({
      %run_scoped3A = tpu.sem_alloc : memref<!tpu.dma_semaphore, #tpu.memory_space<semaphore_mem>>
      %dma_start3A_248 = tpu.memref_slice %arg3[%add3A_19] : memref<204800xi32, #tpu.memory_space<hbm>> -> memref<800xi32, #tpu.memory_space<hbm>>
      %dma_start3A_249 = tpu.memref_slice %arg3[%add3A_19] : memref<204800xi32, #tpu.memory_space<hbm>> -> memref<800xi32, #tpu.memory_space<hbm>>
      tpu.enqueue_dma source(%dma_start3A_249 : memref<800xi32, #tpu.memory_space<hbm>>) target(%arg10 : memref<800xi32, #tpu.memory_space<vmem>>) target_semaphore(%run_scoped3A : memref<!tpu.dma_semaphore, #tpu.memory_space<semaphore_mem>>)
      %dma_wait3A_250 = tpu.memref_slice %arg3[%add3A_19] : memref<204800xi32, #tpu.memory_space<hbm>> -> memref<800xi32, #tpu.memory_space<hbm>>
      %dma_wait3A_251 = tpu.memref_slice %arg3[%add3A_19] : memref<204800xi32, #tpu.memory_space<hbm>> -> memref<800xi32, #tpu.memory_space<hbm>>
      tpu.wait_dma2 semaphore(%run_scoped3A : memref<!tpu.dma_semaphore, #tpu.memory_space<semaphore_mem>>) src(%dma_wait3A_251 : memref<800xi32, #tpu.memory_space<hbm>>) dst(%arg10 : memref<800xi32, #tpu.memory_space<vmem>>)
      tpu.yield
    }) : () -> ()
    %scan3A_20 = arith.constant 0 : i32
    %scan3A_21 = arith.constant 0 : i32
    %scan3A_22 = arith.constant 50 : i32
    %scan3A_23 = arith.addi %scan3A_21, %scan3A_22 : i32
    %scan3A_24 = arith.constant 1 : i32
    %scan3A_25 = scf.for %scan3A_248 = %scan3A_21 to %scan3A_23 step %scan3A_24 iter_args(%scan3A_249 = %scan3A_20) -> (i32)  : i32 {
      %mul3A_250 = arith.constant 16 : i32
      %mul3A_251 = arith.muli %scan3A_248, %mul3A_250 : i32
      %get3A = arith.index_cast %mul3A_251 : i32 to index
      %get3A_252 = tpu.vector_load %arg10[%get3A] {strides = array<i32>} : memref<800xi32, #tpu.memory_space<vmem>>, vector<16xi32>,
      %get3A_253 = vector.shape_cast %get3A_252 : vector<16xi32> to vector<16xi32>
      %mul3A_254 = arith.constant 16 : i32
      %mul3A_255 = arith.muli %scan3A_248, %mul3A_254 : i32
      %iota3A = tpu.iota {dimensions = array<i32: 0>} : vector<16xi32>
      %add3A_256 = vector.broadcast %mul3A_255 : i32 to vector<16xi32>
      %add3A_257 = arith.addi %add3A_256, %iota3A : vector<16xi32>
      %jit3A = arith.constant 200 : i32
      %eq3A = arith.constant 0 : i32
      %eq3A_258 = arith.cmpi eq, %jit3A, %eq3A : i32
      %jit3A_259 = arith.constant 1 : i32
      %select_n3A = arith.select %eq3A_258, %jit3A_259, %jit3A : i32
      %rem3A = vector.broadcast %select_n3A : i32 to vector<16xi32>
      %rem3A_260 = arith.remsi %add3A_257, %rem3A : vector<16xi32>
      %ne3A = arith.constant 0 : i32
      %ne3A_261 = vector.broadcast %ne3A : i32 to vector<16xi32>
      %ne3A_262 = arith.cmpi ne, %rem3A_260, %ne3A_261 : vector<16xi32>
      %lt3A = arith.constant 0 : i32
      %lt3A_263 = vector.broadcast %lt3A : i32 to vector<16xi32>
      %lt3A_264 = arith.cmpi slt, %rem3A_260, %lt3A_263 : vector<16xi32>
      %lt3A_265 = arith.constant 0 : i32
      %lt3A_266 = arith.cmpi slt, %select_n3A, %lt3A_265 : i32
      %ne3A_267 = vector.broadcast %lt3A_266 : i1 to vector<16xi1>
      %ne3A_268 = vector.broadcast %ne3A_267 : vector<16xi1> to vector<16xi1>
      %ne3A_269 = arith.xori %lt3A_264, %ne3A_268 : vector<16xi1>
      %and3A = arith.andi %ne3A_269, %ne3A_262 : vector<16xi1>
      %add3A_270 = vector.broadcast %select_n3A : i32 to vector<16xi32>
      %add3A_271 = arith.addi %rem3A_260, %add3A_270 : vector<16xi32>
      %select_n3A_272 = arith.select %and3A, %add3A_271, %rem3A_260 : vector<16xi1>, vector<16xi32>
      %mul3A_273 = arith.constant 200 : i32
      %mul3A_274 = vector.broadcast %mul3A_273 : i32 to vector<16xi32>
      %mul3A_275 = arith.muli %get3A_253, %mul3A_274 : vector<16xi32>
      %add3A_276 = arith.addi %mul3A_275, %select_n3A_272 : vector<16xi32>
      %mul3A_277 = arith.constant 16 : i32
      %mul3A_278 = arith.muli %scan3A_248, %mul3A_277 : i32
      %swap3A = arith.index_cast %mul3A_278 : i32 to index
      %swap3A_279 = tpu.vector_load %arg12[%swap3A] {strides = array<i32>} : memref<800xi32, #tpu.memory_space<vmem>>, vector<16xi32>,
      %swap3A_280 = vector.shape_cast %swap3A_279 : vector<16xi32> to vector<16xi32>
      %swap3A_281 = vector.shape_cast %add3A_276 : vector<16xi32> to vector<16xi32>
      tpu.vector_store %arg12[%swap3A], %swap3A_281 {strides = array<i32>} : memref<800xi32, #tpu.memory_space<vmem>>, vector<16xi32>,
      %scan3A_282 = arith.constant 0 : i32
      scf.yield %scan3A_282 : i32
    }
    %scan3A_26 = arith.constant 50 : i32
    %dma_start3A_27 = arith.constant 0 : i32
    %dma_start3A_28 = arith.constant 0 : i32
    %dma_start3A_29 = tpu.memref_slice %arg4[%dma_start3A_27, %dma_start3A_28] : memref<100000x64xf32, #tpu.memory_space<hbm>> -> memref<100000x64xf32, #tpu.memory_space<hbm>>
    tpu.enqueue_indirect_dma source(%dma_start3A_29 : memref<100000x64xf32, #tpu.memory_space<hbm>>) target(%arg14 : memref<800x64xf32, #tpu.memory_space<vmem>>) offsets(%arg8 : memref<800xi32, #tpu.memory_space<vmem>>) semaphore(%arg16 : memref<!tpu.dma_semaphore, #tpu.memory_space<semaphore_mem>>)
    %dma_wait3A_30 = arith.constant 0 : i32
    %dma_wait3A_31 = arith.constant 0 : i32
    %dma_wait3A_32 = tpu.memref_slice %arg5[%dma_wait3A_30, %dma_wait3A_31] : memref<600x64xf32, #tpu.memory_space<hbm>> -> memref<600x64xf32, #tpu.memory_space<hbm>>
    tpu.wait_indirect_dma semaphore(%arg17 : memref<!tpu.dma_semaphore, #tpu.memory_space<semaphore_mem>>) src(%dma_wait3A_32 : memref<600x64xf32, #tpu.memory_space<hbm>>) dst(%arg13 : memref<800x64xf32, #tpu.memory_space<vmem>>)
    %add3A_33 = arith.constant 0 : i32
    %add3A_34 = arith.addi %mul3A_2, %add3A_33 : i32
    %dma_start3A_35 = arith.constant 0 : i32
    %dma_start3A_36 = tpu.memref_slice %arg6[%add3A_34, %dma_start3A_35] : memref<204800x64xf32, #tpu.memory_space<hbm>> -> memref<800x64xf32, #tpu.memory_space<hbm>>
    %dma_start3A_37 = arith.constant 0 : i32
    %dma_start3A_38 = tpu.memref_slice %arg6[%add3A_34, %dma_start3A_37] : memref<204800x64xf32, #tpu.memory_space<hbm>> -> memref<800x64xf32, #tpu.memory_space<hbm>>
    tpu.enqueue_dma source(%arg13 : memref<800x64xf32, #tpu.memory_space<vmem>>) target(%dma_start3A_38 : memref<800x64xf32, #tpu.memory_space<hbm>>) target_semaphore(%arg19 : memref<!tpu.dma_semaphore, #tpu.memory_space<semaphore_mem>>)
    %dma_wait3A_39 = arith.constant 0 : i32
    %dma_wait3A_40 = arith.constant 0 : i32
    %dma_wait3A_41 = tpu.memref_slice %arg4[%dma_wait3A_39, %dma_wait3A_40] : memref<100000x64xf32, #tpu.memory_space<hbm>> -> memref<100000x64xf32, #tpu.memory_space<hbm>>
    tpu.wait_indirect_dma semaphore(%arg16 : memref<!tpu.dma_semaphore, #tpu.memory_space<semaphore_mem>>) src(%dma_wait3A_41 : memref<100000x64xf32, #tpu.memory_space<hbm>>) dst(%arg14 : memref<800x64xf32, #tpu.memory_space<vmem>>)
    %dma_start3A_42 = arith.constant 0 : i32
    %dma_start3A_43 = arith.constant 0 : i32
    %dma_start3A_44 = tpu.memref_slice %arg5[%dma_start3A_42, %dma_start3A_43] : memref<600x64xf32, #tpu.memory_space<hbm>> -> memref<600x64xf32, #tpu.memory_space<hbm>>
    tpu.enqueue_indirect_dma source(%dma_start3A_44 : memref<600x64xf32, #tpu.memory_space<hbm>>) target(%arg14 : memref<800x64xf32, #tpu.memory_space<vmem>>) offsets(%arg12 : memref<800xi32, #tpu.memory_space<vmem>>) semaphore(%arg18 : memref<!tpu.dma_semaphore, #tpu.memory_space<semaphore_mem>>) {add = true}
    %dma_wait3A_45 = arith.constant 0 : i32
    %dma_wait3A_46 = tpu.memref_slice %arg6[%add3A_34, %dma_wait3A_45] : memref<204800x64xf32, #tpu.memory_space<hbm>> -> memref<800x64xf32, #tpu.memory_space<hbm>>
    %dma_wait3A_47 = arith.constant 0 : i32
    %dma_wait3A_48 = tpu.memref_slice %arg6[%add3A_34, %dma_wait3A_47] : memref<204800x64xf32, #tpu.memory_space<hbm>> -> memref<800x64xf32, #tpu.memory_space<hbm>>
    tpu.wait_dma2 semaphore(%arg19 : memref<!tpu.dma_semaphore, #tpu.memory_space<semaphore_mem>>) src(%arg13 : memref<800x64xf32, #tpu.memory_space<vmem>>) dst(%dma_wait3A_48 : memref<800x64xf32, #tpu.memory_space<hbm>>)
    %add3A_49 = arith.constant 1600 : i32
    %add3A_50 = arith.addi %mul3A_2, %add3A_49 : i32
    "tpu.region"() ({
      %run_scoped3A = tpu.sem_alloc : memref<!tpu.dma_semaphore, #tpu.memory_space<semaphore_mem>>
      %dma_start3A_248 = tpu.memref_slice %arg2[%add3A_50] : memref<204800xi32, #tpu.memory_space<hbm>> -> memref<800xi32, #tpu.memory_space<hbm>>
      %dma_start3A_249 = tpu.memref_slice %arg2[%add3A_50] : memref<204800xi32, #tpu.memory_space<hbm>> -> memref<800xi32, #tpu.memory_space<hbm>>
      tpu.enqueue_dma source(%dma_start3A_249 : memref<800xi32, #tpu.memory_space<hbm>>) target(%arg7 : memref<800xi32, #tpu.memory_space<vmem>>) target_semaphore(%run_scoped3A : memref<!tpu.dma_semaphore, #tpu.memory_space<semaphore_mem>>)
      %dma_wait3A_250 = tpu.memref_slice %arg2[%add3A_50] : memref<204800xi32, #tpu.memory_space<hbm>> -> memref<800xi32, #tpu.memory_space<hbm>>
      %dma_wait3A_251 = tpu.memref_slice %arg2[%add3A_50] : memref<204800xi32, #tpu.memory_space<hbm>> -> memref<800xi32, #tpu.memory_space<hbm>>
      tpu.wait_dma2 semaphore(%run_scoped3A : memref<!tpu.dma_semaphore, #tpu.memory_space<semaphore_mem>>) src(%dma_wait3A_251 : memref<800xi32, #tpu.memory_space<hbm>>) dst(%arg7 : memref<800xi32, #tpu.memory_space<vmem>>)
      tpu.yield
    }) : () -> ()
    "tpu.region"() ({
      %run_scoped3A = tpu.sem_alloc : memref<!tpu.dma_semaphore, #tpu.memory_space<semaphore_mem>>
      %dma_start3A_248 = tpu.memref_slice %arg3[%add3A_50] : memref<204800xi32, #tpu.memory_space<hbm>> -> memref<800xi32, #tpu.memory_space<hbm>>
      %dma_start3A_249 = tpu.memref_slice %arg3[%add3A_50] : memref<204800xi32, #tpu.memory_space<hbm>> -> memref<800xi32, #tpu.memory_space<hbm>>
      tpu.enqueue_dma source(%dma_start3A_249 : memref<800xi32, #tpu.memory_space<hbm>>) target(%arg9 : memref<800xi32, #tpu.memory_space<vmem>>) target_semaphore(%run_scoped3A : memref<!tpu.dma_semaphore, #tpu.memory_space<semaphore_mem>>)
      %dma_wait3A_250 = tpu.memref_slice %arg3[%add3A_50] : memref<204800xi32, #tpu.memory_space<hbm>> -> memref<800xi32, #tpu.memory_space<hbm>>
      %dma_wait3A_251 = tpu.memref_slice %arg3[%add3A_50] : memref<204800xi32, #tpu.memory_space<hbm>> -> memref<800xi32, #tpu.memory_space<hbm>>
      tpu.wait_dma2 semaphore(%run_scoped3A : memref<!tpu.dma_semaphore, #tpu.memory_space<semaphore_mem>>) src(%dma_wait3A_251 : memref<800xi32, #tpu.memory_space<hbm>>) dst(%arg9 : memref<800xi32, #tpu.memory_space<vmem>>)
      tpu.yield
    }) : () -> ()
    %scan3A_51 = arith.constant 0 : i32
    %scan3A_52 = arith.constant 0 : i32
    %scan3A_53 = arith.constant 50 : i32
    %scan3A_54 = arith.addi %scan3A_52, %scan3A_53 : i32
    %scan3A_55 = arith.constant 1 : i32
    %scan3A_56 = scf.for %scan3A_248 = %scan3A_52 to %scan3A_54 step %scan3A_55 iter_args(%scan3A_249 = %scan3A_51) -> (i32)  : i32 {
      %mul3A_250 = arith.constant 16 : i32
      %mul3A_251 = arith.muli %scan3A_248, %mul3A_250 : i32
      %get3A = arith.index_cast %mul3A_251 : i32 to index
      %get3A_252 = tpu.vector_load %arg9[%get3A] {strides = array<i32>} : memref<800xi32, #tpu.memory_space<vmem>>, vector<16xi32>,
      %get3A_253 = vector.shape_cast %get3A_252 : vector<16xi32> to vector<16xi32>
      %mul3A_254 = arith.constant 16 : i32
      %mul3A_255 = arith.muli %scan3A_248, %mul3A_254 : i32
      %iota3A = tpu.iota {dimensions = array<i32: 0>} : vector<16xi32>
      %add3A_256 = vector.broadcast %mul3A_255 : i32 to vector<16xi32>
      %add3A_257 = arith.addi %add3A_256, %iota3A : vector<16xi32>
      %jit3A = arith.constant 200 : i32
      %eq3A = arith.constant 0 : i32
      %eq3A_258 = arith.cmpi eq, %jit3A, %eq3A : i32
      %jit3A_259 = arith.constant 1 : i32
      %select_n3A = arith.select %eq3A_258, %jit3A_259, %jit3A : i32
      %rem3A = vector.broadcast %select_n3A : i32 to vector<16xi32>
      %rem3A_260 = arith.remsi %add3A_257, %rem3A : vector<16xi32>
      %ne3A = arith.constant 0 : i32
      %ne3A_261 = vector.broadcast %ne3A : i32 to vector<16xi32>
      %ne3A_262 = arith.cmpi ne, %rem3A_260, %ne3A_261 : vector<16xi32>
      %lt3A = arith.constant 0 : i32
      %lt3A_263 = vector.broadcast %lt3A : i32 to vector<16xi32>
      %lt3A_264 = arith.cmpi slt, %rem3A_260, %lt3A_263 : vector<16xi32>
      %lt3A_265 = arith.constant 0 : i32
      %lt3A_266 = arith.cmpi slt, %select_n3A, %lt3A_265 : i32
      %ne3A_267 = vector.broadcast %lt3A_266 : i1 to vector<16xi1>
      %ne3A_268 = vector.broadcast %ne3A_267 : vector<16xi1> to vector<16xi1>
      %ne3A_269 = arith.xori %lt3A_264, %ne3A_268 : vector<16xi1>
      %and3A = arith.andi %ne3A_269, %ne3A_262 : vector<16xi1>
      %add3A_270 = vector.broadcast %select_n3A : i32 to vector<16xi32>
      %add3A_271 = arith.addi %rem3A_260, %add3A_270 : vector<16xi32>
      %select_n3A_272 = arith.select %and3A, %add3A_271, %rem3A_260 : vector<16xi1>, vector<16xi32>
      %mul3A_273 = arith.constant 200 : i32
      %mul3A_274 = vector.broadcast %mul3A_273 : i32 to vector<16xi32>
      %mul3A_275 = arith.muli %get3A_253, %mul3A_274 : vector<16xi32>
      %add3A_276 = arith.addi %mul3A_275, %select_n3A_272 : vector<16xi32>
      %mul3A_277 = arith.constant 16 : i32
      %mul3A_278 = arith.muli %scan3A_248, %mul3A_277 : i32
      %swap3A = arith.index_cast %mul3A_278 : i32 to index
      %swap3A_279 = tpu.vector_load %arg11[%swap3A] {strides = array<i32>} : memref<800xi32, #tpu.memory_space<vmem>>, vector<16xi32>,
      %swap3A_280 = vector.shape_cast %swap3A_279 : vector<16xi32> to vector<16xi32>
      %swap3A_281 = vector.shape_cast %add3A_276 : vector<16xi32> to vector<16xi32>
      tpu.vector_store %arg11[%swap3A], %swap3A_281 {strides = array<i32>} : memref<800xi32, #tpu.memory_space<vmem>>, vector<16xi32>,
      %scan3A_282 = arith.constant 0 : i32
      scf.yield %scan3A_282 : i32
    }
    %scan3A_57 = arith.constant 50 : i32
    %dma_start3A_58 = arith.constant 0 : i32
    %dma_start3A_59 = arith.constant 0 : i32
    %dma_start3A_60 = tpu.memref_slice %arg4[%dma_start3A_58, %dma_start3A_59] : memref<100000x64xf32, #tpu.memory_space<hbm>> -> memref<100000x64xf32, #tpu.memory_space<hbm>>
    tpu.enqueue_indirect_dma source(%dma_start3A_60 : memref<100000x64xf32, #tpu.memory_space<hbm>>) target(%arg13 : memref<800x64xf32, #tpu.memory_space<vmem>>) offsets(%arg7 : memref<800xi32, #tpu.memory_space<vmem>>) semaphore(%arg15 : memref<!tpu.dma_semaphore, #tpu.memory_space<semaphore_mem>>)
    %dma_wait3A_61 = arith.constant 0 : i32
    %dma_wait3A_62 = arith.constant 0 : i32
    %dma_wait3A_63 = tpu.memref_slice %arg5[%dma_wait3A_61, %dma_wait3A_62] : memref<600x64xf32, #tpu.memory_space<hbm>> -> memref<600x64xf32, #tpu.memory_space<hbm>>
    tpu.wait_indirect_dma semaphore(%arg18 : memref<!tpu.dma_semaphore, #tpu.memory_space<semaphore_mem>>) src(%dma_wait3A_63 : memref<600x64xf32, #tpu.memory_space<hbm>>) dst(%arg14 : memref<800x64xf32, #tpu.memory_space<vmem>>)
    %add3A_64 = arith.constant 800 : i32
    %add3A_65 = arith.addi %mul3A_2, %add3A_64 : i32
    %dma_start3A_66 = arith.constant 0 : i32
    %dma_start3A_67 = tpu.memref_slice %arg6[%add3A_65, %dma_start3A_66] : memref<204800x64xf32, #tpu.memory_space<hbm>> -> memref<800x64xf32, #tpu.memory_space<hbm>>
    %dma_start3A_68 = arith.constant 0 : i32
    %dma_start3A_69 = tpu.memref_slice %arg6[%add3A_65, %dma_start3A_68] : memref<204800x64xf32, #tpu.memory_space<hbm>> -> memref<800x64xf32, #tpu.memory_space<hbm>>
    tpu.enqueue_dma source(%arg14 : memref<800x64xf32, #tpu.memory_space<vmem>>) target(%dma_start3A_69 : memref<800x64xf32, #tpu.memory_space<hbm>>) target_semaphore(%arg20 : memref<!tpu.dma_semaphore, #tpu.memory_space<semaphore_mem>>)
    %dma_wait3A_70 = arith.constant 0 : i32
    %dma_wait3A_71 = arith.constant 0 : i32
    %dma_wait3A_72 = tpu.memref_slice %arg4[%dma_wait3A_70, %dma_wait3A_71] : memref<100000x64xf32, #tpu.memory_space<hbm>> -> memref<100000x64xf32, #tpu.memory_space<hbm>>
    tpu.wait_indirect_dma semaphore(%arg15 : memref<!tpu.dma_semaphore, #tpu.memory_space<semaphore_mem>>) src(%dma_wait3A_72 : memref<100000x64xf32, #tpu.memory_space<hbm>>) dst(%arg13 : memref<800x64xf32, #tpu.memory_space<vmem>>)
    %dma_start3A_73 = arith.constant 0 : i32
    %dma_start3A_74 = arith.constant 0 : i32
    %dma_start3A_75 = tpu.memref_slice %arg5[%dma_start3A_73, %dma_start3A_74] : memref<600x64xf32, #tpu.memory_space<hbm>> -> memref<600x64xf32, #tpu.memory_space<hbm>>
    tpu.enqueue_indirect_dma source(%dma_start3A_75 : memref<600x64xf32, #tpu.memory_space<hbm>>) target(%arg13 : memref<800x64xf32, #tpu.memory_space<vmem>>) offsets(%arg11 : memref<800xi32, #tpu.memory_space<vmem>>) semaphore(%arg17 : memref<!tpu.dma_semaphore, #tpu.memory_space<semaphore_mem>>) {add = true}
    %dma_wait3A_76 = arith.constant 0 : i32
    %dma_wait3A_77 = tpu.memref_slice %arg6[%add3A_65, %dma_wait3A_76] : memref<204800x64xf32, #tpu.memory_space<hbm>> -> memref<800x64xf32, #tpu.memory_space<hbm>>
    %dma_wait3A_78 = arith.constant 0 : i32
    %dma_wait3A_79 = tpu.memref_slice %arg6[%add3A_65, %dma_wait3A_78] : memref<204800x64xf32, #tpu.memory_space<hbm>> -> memref<800x64xf32, #tpu.memory_space<hbm>>
    tpu.wait_dma2 semaphore(%arg20 : memref<!tpu.dma_semaphore, #tpu.memory_space<semaphore_mem>>) src(%arg14 : memref<800x64xf32, #tpu.memory_space<vmem>>) dst(%dma_wait3A_79 : memref<800x64xf32, #tpu.memory_space<hbm>>)
    %add3A_80 = arith.constant 2400 : i32
    %add3A_81 = arith.addi %mul3A_2, %add3A_80 : i32
    "tpu.region"() ({
      %run_scoped3A = tpu.sem_alloc : memref<!tpu.dma_semaphore, #tpu.memory_space<semaphore_mem>>
      %dma_start3A_248 = tpu.memref_slice %arg2[%add3A_81] : memref<204800xi32, #tpu.memory_space<hbm>> -> memref<800xi32, #tpu.memory_space<hbm>>
      %dma_start3A_249 = tpu.memref_slice %arg2[%add3A_81] : memref<204800xi32, #tpu.memory_space<hbm>> -> memref<800xi32, #tpu.memory_space<hbm>>
      tpu.enqueue_dma source(%dma_start3A_249 : memref<800xi32, #tpu.memory_space<hbm>>) target(%arg8 : memref<800xi32, #tpu.memory_space<vmem>>) target_semaphore(%run_scoped3A : memref<!tpu.dma_semaphore, #tpu.memory_space<semaphore_mem>>)
      %dma_wait3A_250 = tpu.memref_slice %arg2[%add3A_81] : memref<204800xi32, #tpu.memory_space<hbm>> -> memref<800xi32, #tpu.memory_space<hbm>>
      %dma_wait3A_251 = tpu.memref_slice %arg2[%add3A_81] : memref<204800xi32, #tpu.memory_space<hbm>> -> memref<800xi32, #tpu.memory_space<hbm>>
      tpu.wait_dma2 semaphore(%run_scoped3A : memref<!tpu.dma_semaphore, #tpu.memory_space<semaphore_mem>>) src(%dma_wait3A_251 : memref<800xi32, #tpu.memory_space<hbm>>) dst(%arg8 : memref<800xi32, #tpu.memory_space<vmem>>)
      tpu.yield
    }) : () -> ()
    "tpu.region"() ({
      %run_scoped3A = tpu.sem_alloc : memref<!tpu.dma_semaphore, #tpu.memory_space<semaphore_mem>>
      %dma_start3A_248 = tpu.memref_slice %arg3[%add3A_81] : memref<204800xi32, #tpu.memory_space<hbm>> -> memref<800xi32, #tpu.memory_space<hbm>>
      %dma_start3A_249 = tpu.memref_slice %arg3[%add3A_81] : memref<204800xi32, #tpu.memory_space<hbm>> -> memref<800xi32, #tpu.memory_space<hbm>>
      tpu.enqueue_dma source(%dma_start3A_249 : memref<800xi32, #tpu.memory_space<hbm>>) target(%arg10 : memref<800xi32, #tpu.memory_space<vmem>>) target_semaphore(%run_scoped3A : memref<!tpu.dma_semaphore, #tpu.memory_space<semaphore_mem>>)
      %dma_wait3A_250 = tpu.memref_slice %arg3[%add3A_81] : memref<204800xi32, #tpu.memory_space<hbm>> -> memref<800xi32, #tpu.memory_space<hbm>>
      %dma_wait3A_251 = tpu.memref_slice %arg3[%add3A_81] : memref<204800xi32, #tpu.memory_space<hbm>> -> memref<800xi32, #tpu.memory_space<hbm>>
      tpu.wait_dma2 semaphore(%run_scoped3A : memref<!tpu.dma_semaphore, #tpu.memory_space<semaphore_mem>>) src(%dma_wait3A_251 : memref<800xi32, #tpu.memory_space<hbm>>) dst(%arg10 : memref<800xi32, #tpu.memory_space<vmem>>)
      tpu.yield
    }) : () -> ()
    %scan3A_82 = arith.constant 0 : i32
    %scan3A_83 = arith.constant 0 : i32
    %scan3A_84 = arith.constant 50 : i32
    %scan3A_85 = arith.addi %scan3A_83, %scan3A_84 : i32
    %scan3A_86 = arith.constant 1 : i32
    %scan3A_87 = scf.for %scan3A_248 = %scan3A_83 to %scan3A_85 step %scan3A_86 iter_args(%scan3A_249 = %scan3A_82) -> (i32)  : i32 {
      %mul3A_250 = arith.constant 16 : i32
      %mul3A_251 = arith.muli %scan3A_248, %mul3A_250 : i32
      %get3A = arith.index_cast %mul3A_251 : i32 to index
      %get3A_252 = tpu.vector_load %arg10[%get3A] {strides = array<i32>} : memref<800xi32, #tpu.memory_space<vmem>>, vector<16xi32>,
      %get3A_253 = vector.shape_cast %get3A_252 : vector<16xi32> to vector<16xi32>
      %mul3A_254 = arith.constant 16 : i32
      %mul3A_255 = arith.muli %scan3A_248, %mul3A_254 : i32
      %iota3A = tpu.iota {dimensions = array<i32: 0>} : vector<16xi32>
      %add3A_256 = vector.broadcast %mul3A_255 : i32 to vector<16xi32>
      %add3A_257 = arith.addi %add3A_256, %iota3A : vector<16xi32>
      %jit3A = arith.constant 200 : i32
      %eq3A = arith.constant 0 : i32
      %eq3A_258 = arith.cmpi eq, %jit3A, %eq3A : i32
      %jit3A_259 = arith.constant 1 : i32
      %select_n3A = arith.select %eq3A_258, %jit3A_259, %jit3A : i32
      %rem3A = vector.broadcast %select_n3A : i32 to vector<16xi32>
      %rem3A_260 = arith.remsi %add3A_257, %rem3A : vector<16xi32>
      %ne3A = arith.constant 0 : i32
      %ne3A_261 = vector.broadcast %ne3A : i32 to vector<16xi32>
      %ne3A_262 = arith.cmpi ne, %rem3A_260, %ne3A_261 : vector<16xi32>
      %lt3A = arith.constant 0 : i32
      %lt3A_263 = vector.broadcast %lt3A : i32 to vector<16xi32>
      %lt3A_264 = arith.cmpi slt, %rem3A_260, %lt3A_263 : vector<16xi32>
      %lt3A_265 = arith.constant 0 : i32
      %lt3A_266 = arith.cmpi slt, %select_n3A, %lt3A_265 : i32
      %ne3A_267 = vector.broadcast %lt3A_266 : i1 to vector<16xi1>
      %ne3A_268 = vector.broadcast %ne3A_267 : vector<16xi1> to vector<16xi1>
      %ne3A_269 = arith.xori %lt3A_264, %ne3A_268 : vector<16xi1>
      %and3A = arith.andi %ne3A_269, %ne3A_262 : vector<16xi1>
      %add3A_270 = vector.broadcast %select_n3A : i32 to vector<16xi32>
      %add3A_271 = arith.addi %rem3A_260, %add3A_270 : vector<16xi32>
      %select_n3A_272 = arith.select %and3A, %add3A_271, %rem3A_260 : vector<16xi1>, vector<16xi32>
      %mul3A_273 = arith.constant 200 : i32
      %mul3A_274 = vector.broadcast %mul3A_273 : i32 to vector<16xi32>
      %mul3A_275 = arith.muli %get3A_253, %mul3A_274 : vector<16xi32>
      %add3A_276 = arith.addi %mul3A_275, %select_n3A_272 : vector<16xi32>
      %mul3A_277 = arith.constant 16 : i32
      %mul3A_278 = arith.muli %scan3A_248, %mul3A_277 : i32
      %swap3A = arith.index_cast %mul3A_278 : i32 to index
      %swap3A_279 = tpu.vector_load %arg12[%swap3A] {strides = array<i32>} : memref<800xi32, #tpu.memory_space<vmem>>, vector<16xi32>,
      %swap3A_280 = vector.shape_cast %swap3A_279 : vector<16xi32> to vector<16xi32>
      %swap3A_281 = vector.shape_cast %add3A_276 : vector<16xi32> to vector<16xi32>
      tpu.vector_store %arg12[%swap3A], %swap3A_281 {strides = array<i32>} : memref<800xi32, #tpu.memory_space<vmem>>, vector<16xi32>,
      %scan3A_282 = arith.constant 0 : i32
      scf.yield %scan3A_282 : i32
    }
    %scan3A_88 = arith.constant 50 : i32
    %dma_start3A_89 = arith.constant 0 : i32
    %dma_start3A_90 = arith.constant 0 : i32
    %dma_start3A_91 = tpu.memref_slice %arg4[%dma_start3A_89, %dma_start3A_90] : memref<100000x64xf32, #tpu.memory_space<hbm>> -> memref<100000x64xf32, #tpu.memory_space<hbm>>
    tpu.enqueue_indirect_dma source(%dma_start3A_91 : memref<100000x64xf32, #tpu.memory_space<hbm>>) target(%arg14 : memref<800x64xf32, #tpu.memory_space<vmem>>) offsets(%arg8 : memref<800xi32, #tpu.memory_space<vmem>>) semaphore(%arg16 : memref<!tpu.dma_semaphore, #tpu.memory_space<semaphore_mem>>)
    %dma_wait3A_92 = arith.constant 0 : i32
    %dma_wait3A_93 = arith.constant 0 : i32
    %dma_wait3A_94 = tpu.memref_slice %arg5[%dma_wait3A_92, %dma_wait3A_93] : memref<600x64xf32, #tpu.memory_space<hbm>> -> memref<600x64xf32, #tpu.memory_space<hbm>>
    tpu.wait_indirect_dma semaphore(%arg17 : memref<!tpu.dma_semaphore, #tpu.memory_space<semaphore_mem>>) src(%dma_wait3A_94 : memref<600x64xf32, #tpu.memory_space<hbm>>) dst(%arg13 : memref<800x64xf32, #tpu.memory_space<vmem>>)
    %add3A_95 = arith.constant 1600 : i32
    %add3A_96 = arith.addi %mul3A_2, %add3A_95 : i32
    %dma_start3A_97 = arith.constant 0 : i32
    %dma_start3A_98 = tpu.memref_slice %arg6[%add3A_96, %dma_start3A_97] : memref<204800x64xf32, #tpu.memory_space<hbm>> -> memref<800x64xf32, #tpu.memory_space<hbm>>
    %dma_start3A_99 = arith.constant 0 : i32
    %dma_start3A_100 = tpu.memref_slice %arg6[%add3A_96, %dma_start3A_99] : memref<204800x64xf32, #tpu.memory_space<hbm>> -> memref<800x64xf32, #tpu.memory_space<hbm>>
    tpu.enqueue_dma source(%arg13 : memref<800x64xf32, #tpu.memory_space<vmem>>) target(%dma_start3A_100 : memref<800x64xf32, #tpu.memory_space<hbm>>) target_semaphore(%arg19 : memref<!tpu.dma_semaphore, #tpu.memory_space<semaphore_mem>>)
    %dma_wait3A_101 = arith.constant 0 : i32
    %dma_wait3A_102 = arith.constant 0 : i32
    %dma_wait3A_103 = tpu.memref_slice %arg4[%dma_wait3A_101, %dma_wait3A_102] : memref<100000x64xf32, #tpu.memory_space<hbm>> -> memref<100000x64xf32, #tpu.memory_space<hbm>>
    tpu.wait_indirect_dma semaphore(%arg16 : memref<!tpu.dma_semaphore, #tpu.memory_space<semaphore_mem>>) src(%dma_wait3A_103 : memref<100000x64xf32, #tpu.memory_space<hbm>>) dst(%arg14 : memref<800x64xf32, #tpu.memory_space<vmem>>)
    %dma_start3A_104 = arith.constant 0 : i32
    %dma_start3A_105 = arith.constant 0 : i32
    %dma_start3A_106 = tpu.memref_slice %arg5[%dma_start3A_104, %dma_start3A_105] : memref<600x64xf32, #tpu.memory_space<hbm>> -> memref<600x64xf32, #tpu.memory_space<hbm>>
    tpu.enqueue_indirect_dma source(%dma_start3A_106 : memref<600x64xf32, #tpu.memory_space<hbm>>) target(%arg14 : memref<800x64xf32, #tpu.memory_space<vmem>>) offsets(%arg12 : memref<800xi32, #tpu.memory_space<vmem>>) semaphore(%arg18 : memref<!tpu.dma_semaphore, #tpu.memory_space<semaphore_mem>>) {add = true}
    %dma_wait3A_107 = arith.constant 0 : i32
    %dma_wait3A_108 = tpu.memref_slice %arg6[%add3A_96, %dma_wait3A_107] : memref<204800x64xf32, #tpu.memory_space<hbm>> -> memref<800x64xf32, #tpu.memory_space<hbm>>
    %dma_wait3A_109 = arith.constant 0 : i32
    %dma_wait3A_110 = tpu.memref_slice %arg6[%add3A_96, %dma_wait3A_109] : memref<204800x64xf32, #tpu.memory_space<hbm>> -> memref<800x64xf32, #tpu.memory_space<hbm>>
    tpu.wait_dma2 semaphore(%arg19 : memref<!tpu.dma_semaphore, #tpu.memory_space<semaphore_mem>>) src(%arg13 : memref<800x64xf32, #tpu.memory_space<vmem>>) dst(%dma_wait3A_110 : memref<800x64xf32, #tpu.memory_space<hbm>>)
    %add3A_111 = arith.constant 3200 : i32
    %add3A_112 = arith.addi %mul3A_2, %add3A_111 : i32
    "tpu.region"() ({
      %run_scoped3A = tpu.sem_alloc : memref<!tpu.dma_semaphore, #tpu.memory_space<semaphore_mem>>
      %dma_start3A_248 = tpu.memref_slice %arg2[%add3A_112] : memref<204800xi32, #tpu.memory_space<hbm>> -> memref<800xi32, #tpu.memory_space<hbm>>
      %dma_start3A_249 = tpu.memref_slice %arg2[%add3A_112] : memref<204800xi32, #tpu.memory_space<hbm>> -> memref<800xi32, #tpu.memory_space<hbm>>
      tpu.enqueue_dma source(%dma_start3A_249 : memref<800xi32, #tpu.memory_space<hbm>>) target(%arg7 : memref<800xi32, #tpu.memory_space<vmem>>) target_semaphore(%run_scoped3A : memref<!tpu.dma_semaphore, #tpu.memory_space<semaphore_mem>>)
      %dma_wait3A_250 = tpu.memref_slice %arg2[%add3A_112] : memref<204800xi32, #tpu.memory_space<hbm>> -> memref<800xi32, #tpu.memory_space<hbm>>
      %dma_wait3A_251 = tpu.memref_slice %arg2[%add3A_112] : memref<204800xi32, #tpu.memory_space<hbm>> -> memref<800xi32, #tpu.memory_space<hbm>>
      tpu.wait_dma2 semaphore(%run_scoped3A : memref<!tpu.dma_semaphore, #tpu.memory_space<semaphore_mem>>) src(%dma_wait3A_251 : memref<800xi32, #tpu.memory_space<hbm>>) dst(%arg7 : memref<800xi32, #tpu.memory_space<vmem>>)
      tpu.yield
    }) : () -> ()
    "tpu.region"() ({
      %run_scoped3A = tpu.sem_alloc : memref<!tpu.dma_semaphore, #tpu.memory_space<semaphore_mem>>
      %dma_start3A_248 = tpu.memref_slice %arg3[%add3A_112] : memref<204800xi32, #tpu.memory_space<hbm>> -> memref<800xi32, #tpu.memory_space<hbm>>
      %dma_start3A_249 = tpu.memref_slice %arg3[%add3A_112] : memref<204800xi32, #tpu.memory_space<hbm>> -> memref<800xi32, #tpu.memory_space<hbm>>
      tpu.enqueue_dma source(%dma_start3A_249 : memref<800xi32, #tpu.memory_space<hbm>>) target(%arg9 : memref<800xi32, #tpu.memory_space<vmem>>) target_semaphore(%run_scoped3A : memref<!tpu.dma_semaphore, #tpu.memory_space<semaphore_mem>>)
      %dma_wait3A_250 = tpu.memref_slice %arg3[%add3A_112] : memref<204800xi32, #tpu.memory_space<hbm>> -> memref<800xi32, #tpu.memory_space<hbm>>
      %dma_wait3A_251 = tpu.memref_slice %arg3[%add3A_112] : memref<204800xi32, #tpu.memory_space<hbm>> -> memref<800xi32, #tpu.memory_space<hbm>>
      tpu.wait_dma2 semaphore(%run_scoped3A : memref<!tpu.dma_semaphore, #tpu.memory_space<semaphore_mem>>) src(%dma_wait3A_251 : memref<800xi32, #tpu.memory_space<hbm>>) dst(%arg9 : memref<800xi32, #tpu.memory_space<vmem>>)
      tpu.yield
    }) : () -> ()
    %scan3A_113 = arith.constant 0 : i32
    %scan3A_114 = arith.constant 0 : i32
    %scan3A_115 = arith.constant 50 : i32
    %scan3A_116 = arith.addi %scan3A_114, %scan3A_115 : i32
    %scan3A_117 = arith.constant 1 : i32
    %scan3A_118 = scf.for %scan3A_248 = %scan3A_114 to %scan3A_116 step %scan3A_117 iter_args(%scan3A_249 = %scan3A_113) -> (i32)  : i32 {
      %mul3A_250 = arith.constant 16 : i32
      %mul3A_251 = arith.muli %scan3A_248, %mul3A_250 : i32
      %get3A = arith.index_cast %mul3A_251 : i32 to index
      %get3A_252 = tpu.vector_load %arg9[%get3A] {strides = array<i32>} : memref<800xi32, #tpu.memory_space<vmem>>, vector<16xi32>,
      %get3A_253 = vector.shape_cast %get3A_252 : vector<16xi32> to vector<16xi32>
      %mul3A_254 = arith.constant 16 : i32
      %mul3A_255 = arith.muli %scan3A_248, %mul3A_254 : i32
      %iota3A = tpu.iota {dimensions = array<i32: 0>} : vector<16xi32>
      %add3A_256 = vector.broadcast %mul3A_255 : i32 to vector<16xi32>
      %add3A_257 = arith.addi %add3A_256, %iota3A : vector<16xi32>
      %jit3A = arith.constant 200 : i32
      %eq3A = arith.constant 0 : i32
      %eq3A_258 = arith.cmpi eq, %jit3A, %eq3A : i32
      %jit3A_259 = arith.constant 1 : i32
      %select_n3A = arith.select %eq3A_258, %jit3A_259, %jit3A : i32
      %rem3A = vector.broadcast %select_n3A : i32 to vector<16xi32>
      %rem3A_260 = arith.remsi %add3A_257, %rem3A : vector<16xi32>
      %ne3A = arith.constant 0 : i32
      %ne3A_261 = vector.broadcast %ne3A : i32 to vector<16xi32>
      %ne3A_262 = arith.cmpi ne, %rem3A_260, %ne3A_261 : vector<16xi32>
      %lt3A = arith.constant 0 : i32
      %lt3A_263 = vector.broadcast %lt3A : i32 to vector<16xi32>
      %lt3A_264 = arith.cmpi slt, %rem3A_260, %lt3A_263 : vector<16xi32>
      %lt3A_265 = arith.constant 0 : i32
      %lt3A_266 = arith.cmpi slt, %select_n3A, %lt3A_265 : i32
      %ne3A_267 = vector.broadcast %lt3A_266 : i1 to vector<16xi1>
      %ne3A_268 = vector.broadcast %ne3A_267 : vector<16xi1> to vector<16xi1>
      %ne3A_269 = arith.xori %lt3A_264, %ne3A_268 : vector<16xi1>
      %and3A = arith.andi %ne3A_269, %ne3A_262 : vector<16xi1>
      %add3A_270 = vector.broadcast %select_n3A : i32 to vector<16xi32>
      %add3A_271 = arith.addi %rem3A_260, %add3A_270 : vector<16xi32>
      %select_n3A_272 = arith.select %and3A, %add3A_271, %rem3A_260 : vector<16xi1>, vector<16xi32>
      %mul3A_273 = arith.constant 200 : i32
      %mul3A_274 = vector.broadcast %mul3A_273 : i32 to vector<16xi32>
      %mul3A_275 = arith.muli %get3A_253, %mul3A_274 : vector<16xi32>
      %add3A_276 = arith.addi %mul3A_275, %select_n3A_272 : vector<16xi32>
      %mul3A_277 = arith.constant 16 : i32
      %mul3A_278 = arith.muli %scan3A_248, %mul3A_277 : i32
      %swap3A = arith.index_cast %mul3A_278 : i32 to index
      %swap3A_279 = tpu.vector_load %arg11[%swap3A] {strides = array<i32>} : memref<800xi32, #tpu.memory_space<vmem>>, vector<16xi32>,
      %swap3A_280 = vector.shape_cast %swap3A_279 : vector<16xi32> to vector<16xi32>
      %swap3A_281 = vector.shape_cast %add3A_276 : vector<16xi32> to vector<16xi32>
      tpu.vector_store %arg11[%swap3A], %swap3A_281 {strides = array<i32>} : memref<800xi32, #tpu.memory_space<vmem>>, vector<16xi32>,
      %scan3A_282 = arith.constant 0 : i32
      scf.yield %scan3A_282 : i32
    }
    %scan3A_119 = arith.constant 50 : i32
    %dma_start3A_120 = arith.constant 0 : i32
    %dma_start3A_121 = arith.constant 0 : i32
    %dma_start3A_122 = tpu.memref_slice %arg4[%dma_start3A_120, %dma_start3A_121] : memref<100000x64xf32, #tpu.memory_space<hbm>> -> memref<100000x64xf32, #tpu.memory_space<hbm>>
    tpu.enqueue_indirect_dma source(%dma_start3A_122 : memref<100000x64xf32, #tpu.memory_space<hbm>>) target(%arg13 : memref<800x64xf32, #tpu.memory_space<vmem>>) offsets(%arg7 : memref<800xi32, #tpu.memory_space<vmem>>) semaphore(%arg15 : memref<!tpu.dma_semaphore, #tpu.memory_space<semaphore_mem>>)
    %dma_wait3A_123 = arith.constant 0 : i32
    %dma_wait3A_124 = arith.constant 0 : i32
    %dma_wait3A_125 = tpu.memref_slice %arg5[%dma_wait3A_123, %dma_wait3A_124] : memref<600x64xf32, #tpu.memory_space<hbm>> -> memref<600x64xf32, #tpu.memory_space<hbm>>
    tpu.wait_indirect_dma semaphore(%arg18 : memref<!tpu.dma_semaphore, #tpu.memory_space<semaphore_mem>>) src(%dma_wait3A_125 : memref<600x64xf32, #tpu.memory_space<hbm>>) dst(%arg14 : memref<800x64xf32, #tpu.memory_space<vmem>>)
    %add3A_126 = arith.constant 2400 : i32
    %add3A_127 = arith.addi %mul3A_2, %add3A_126 : i32
    %dma_start3A_128 = arith.constant 0 : i32
    %dma_start3A_129 = tpu.memref_slice %arg6[%add3A_127, %dma_start3A_128] : memref<204800x64xf32, #tpu.memory_space<hbm>> -> memref<800x64xf32, #tpu.memory_space<hbm>>
    %dma_start3A_130 = arith.constant 0 : i32
    %dma_start3A_131 = tpu.memref_slice %arg6[%add3A_127, %dma_start3A_130] : memref<204800x64xf32, #tpu.memory_space<hbm>> -> memref<800x64xf32, #tpu.memory_space<hbm>>
    tpu.enqueue_dma source(%arg14 : memref<800x64xf32, #tpu.memory_space<vmem>>) target(%dma_start3A_131 : memref<800x64xf32, #tpu.memory_space<hbm>>) target_semaphore(%arg20 : memref<!tpu.dma_semaphore, #tpu.memory_space<semaphore_mem>>)
    %dma_wait3A_132 = arith.constant 0 : i32
    %dma_wait3A_133 = arith.constant 0 : i32
    %dma_wait3A_134 = tpu.memref_slice %arg4[%dma_wait3A_132, %dma_wait3A_133] : memref<100000x64xf32, #tpu.memory_space<hbm>> -> memref<100000x64xf32, #tpu.memory_space<hbm>>
    tpu.wait_indirect_dma semaphore(%arg15 : memref<!tpu.dma_semaphore, #tpu.memory_space<semaphore_mem>>) src(%dma_wait3A_134 : memref<100000x64xf32, #tpu.memory_space<hbm>>) dst(%arg13 : memref<800x64xf32, #tpu.memory_space<vmem>>)
    %dma_start3A_135 = arith.constant 0 : i32
    %dma_start3A_136 = arith.constant 0 : i32
    %dma_start3A_137 = tpu.memref_slice %arg5[%dma_start3A_135, %dma_start3A_136] : memref<600x64xf32, #tpu.memory_space<hbm>> -> memref<600x64xf32, #tpu.memory_space<hbm>>
    tpu.enqueue_indirect_dma source(%dma_start3A_137 : memref<600x64xf32, #tpu.memory_space<hbm>>) target(%arg13 : memref<800x64xf32, #tpu.memory_space<vmem>>) offsets(%arg11 : memref<800xi32, #tpu.memory_space<vmem>>) semaphore(%arg17 : memref<!tpu.dma_semaphore, #tpu.memory_space<semaphore_mem>>) {add = true}
    %dma_wait3A_138 = arith.constant 0 : i32
    %dma_wait3A_139 = tpu.memref_slice %arg6[%add3A_127, %dma_wait3A_138] : memref<204800x64xf32, #tpu.memory_space<hbm>> -> memref<800x64xf32, #tpu.memory_space<hbm>>
    %dma_wait3A_140 = arith.constant 0 : i32
    %dma_wait3A_141 = tpu.memref_slice %arg6[%add3A_127, %dma_wait3A_140] : memref<204800x64xf32, #tpu.memory_space<hbm>> -> memref<800x64xf32, #tpu.memory_space<hbm>>
    tpu.wait_dma2 semaphore(%arg20 : memref<!tpu.dma_semaphore, #tpu.memory_space<semaphore_mem>>) src(%arg14 : memref<800x64xf32, #tpu.memory_space<vmem>>) dst(%dma_wait3A_141 : memref<800x64xf32, #tpu.memory_space<hbm>>)
    %add3A_142 = arith.constant 4000 : i32
    %add3A_143 = arith.addi %mul3A_2, %add3A_142 : i32
    "tpu.region"() ({
      %run_scoped3A = tpu.sem_alloc : memref<!tpu.dma_semaphore, #tpu.memory_space<semaphore_mem>>
      %dma_start3A_248 = tpu.memref_slice %arg2[%add3A_143] : memref<204800xi32, #tpu.memory_space<hbm>> -> memref<800xi32, #tpu.memory_space<hbm>>
      %dma_start3A_249 = tpu.memref_slice %arg2[%add3A_143] : memref<204800xi32, #tpu.memory_space<hbm>> -> memref<800xi32, #tpu.memory_space<hbm>>
      tpu.enqueue_dma source(%dma_start3A_249 : memref<800xi32, #tpu.memory_space<hbm>>) target(%arg8 : memref<800xi32, #tpu.memory_space<vmem>>) target_semaphore(%run_scoped3A : memref<!tpu.dma_semaphore, #tpu.memory_space<semaphore_mem>>)
      %dma_wait3A_250 = tpu.memref_slice %arg2[%add3A_143] : memref<204800xi32, #tpu.memory_space<hbm>> -> memref<800xi32, #tpu.memory_space<hbm>>
      %dma_wait3A_251 = tpu.memref_slice %arg2[%add3A_143] : memref<204800xi32, #tpu.memory_space<hbm>> -> memref<800xi32, #tpu.memory_space<hbm>>
      tpu.wait_dma2 semaphore(%run_scoped3A : memref<!tpu.dma_semaphore, #tpu.memory_space<semaphore_mem>>) src(%dma_wait3A_251 : memref<800xi32, #tpu.memory_space<hbm>>) dst(%arg8 : memref<800xi32, #tpu.memory_space<vmem>>)
      tpu.yield
    }) : () -> ()
    "tpu.region"() ({
      %run_scoped3A = tpu.sem_alloc : memref<!tpu.dma_semaphore, #tpu.memory_space<semaphore_mem>>
      %dma_start3A_248 = tpu.memref_slice %arg3[%add3A_143] : memref<204800xi32, #tpu.memory_space<hbm>> -> memref<800xi32, #tpu.memory_space<hbm>>
      %dma_start3A_249 = tpu.memref_slice %arg3[%add3A_143] : memref<204800xi32, #tpu.memory_space<hbm>> -> memref<800xi32, #tpu.memory_space<hbm>>
      tpu.enqueue_dma source(%dma_start3A_249 : memref<800xi32, #tpu.memory_space<hbm>>) target(%arg10 : memref<800xi32, #tpu.memory_space<vmem>>) target_semaphore(%run_scoped3A : memref<!tpu.dma_semaphore, #tpu.memory_space<semaphore_mem>>)
      %dma_wait3A_250 = tpu.memref_slice %arg3[%add3A_143] : memref<204800xi32, #tpu.memory_space<hbm>> -> memref<800xi32, #tpu.memory_space<hbm>>
      %dma_wait3A_251 = tpu.memref_slice %arg3[%add3A_143] : memref<204800xi32, #tpu.memory_space<hbm>> -> memref<800xi32, #tpu.memory_space<hbm>>
      tpu.wait_dma2 semaphore(%run_scoped3A : memref<!tpu.dma_semaphore, #tpu.memory_space<semaphore_mem>>) src(%dma_wait3A_251 : memref<800xi32, #tpu.memory_space<hbm>>) dst(%arg10 : memref<800xi32, #tpu.memory_space<vmem>>)
      tpu.yield
    }) : () -> ()
    %scan3A_144 = arith.constant 0 : i32
    %scan3A_145 = arith.constant 0 : i32
    %scan3A_146 = arith.constant 50 : i32
    %scan3A_147 = arith.addi %scan3A_145, %scan3A_146 : i32
    %scan3A_148 = arith.constant 1 : i32
    %scan3A_149 = scf.for %scan3A_248 = %scan3A_145 to %scan3A_147 step %scan3A_148 iter_args(%scan3A_249 = %scan3A_144) -> (i32)  : i32 {
      %mul3A_250 = arith.constant 16 : i32
      %mul3A_251 = arith.muli %scan3A_248, %mul3A_250 : i32
      %get3A = arith.index_cast %mul3A_251 : i32 to index
      %get3A_252 = tpu.vector_load %arg10[%get3A] {strides = array<i32>} : memref<800xi32, #tpu.memory_space<vmem>>, vector<16xi32>,
      %get3A_253 = vector.shape_cast %get3A_252 : vector<16xi32> to vector<16xi32>
      %mul3A_254 = arith.constant 16 : i32
      %mul3A_255 = arith.muli %scan3A_248, %mul3A_254 : i32
      %iota3A = tpu.iota {dimensions = array<i32: 0>} : vector<16xi32>
      %add3A_256 = vector.broadcast %mul3A_255 : i32 to vector<16xi32>
      %add3A_257 = arith.addi %add3A_256, %iota3A : vector<16xi32>
      %jit3A = arith.constant 200 : i32
      %eq3A = arith.constant 0 : i32
      %eq3A_258 = arith.cmpi eq, %jit3A, %eq3A : i32
      %jit3A_259 = arith.constant 1 : i32
      %select_n3A = arith.select %eq3A_258, %jit3A_259, %jit3A : i32
      %rem3A = vector.broadcast %select_n3A : i32 to vector<16xi32>
      %rem3A_260 = arith.remsi %add3A_257, %rem3A : vector<16xi32>
      %ne3A = arith.constant 0 : i32
      %ne3A_261 = vector.broadcast %ne3A : i32 to vector<16xi32>
      %ne3A_262 = arith.cmpi ne, %rem3A_260, %ne3A_261 : vector<16xi32>
      %lt3A = arith.constant 0 : i32
      %lt3A_263 = vector.broadcast %lt3A : i32 to vector<16xi32>
      %lt3A_264 = arith.cmpi slt, %rem3A_260, %lt3A_263 : vector<16xi32>
      %lt3A_265 = arith.constant 0 : i32
      %lt3A_266 = arith.cmpi slt, %select_n3A, %lt3A_265 : i32
      %ne3A_267 = vector.broadcast %lt3A_266 : i1 to vector<16xi1>
      %ne3A_268 = vector.broadcast %ne3A_267 : vector<16xi1> to vector<16xi1>
      %ne3A_269 = arith.xori %lt3A_264, %ne3A_268 : vector<16xi1>
      %and3A = arith.andi %ne3A_269, %ne3A_262 : vector<16xi1>
      %add3A_270 = vector.broadcast %select_n3A : i32 to vector<16xi32>
      %add3A_271 = arith.addi %rem3A_260, %add3A_270 : vector<16xi32>
      %select_n3A_272 = arith.select %and3A, %add3A_271, %rem3A_260 : vector<16xi1>, vector<16xi32>
      %mul3A_273 = arith.constant 200 : i32
      %mul3A_274 = vector.broadcast %mul3A_273 : i32 to vector<16xi32>
      %mul3A_275 = arith.muli %get3A_253, %mul3A_274 : vector<16xi32>
      %add3A_276 = arith.addi %mul3A_275, %select_n3A_272 : vector<16xi32>
      %mul3A_277 = arith.constant 16 : i32
      %mul3A_278 = arith.muli %scan3A_248, %mul3A_277 : i32
      %swap3A = arith.index_cast %mul3A_278 : i32 to index
      %swap3A_279 = tpu.vector_load %arg12[%swap3A] {strides = array<i32>} : memref<800xi32, #tpu.memory_space<vmem>>, vector<16xi32>,
      %swap3A_280 = vector.shape_cast %swap3A_279 : vector<16xi32> to vector<16xi32>
      %swap3A_281 = vector.shape_cast %add3A_276 : vector<16xi32> to vector<16xi32>
      tpu.vector_store %arg12[%swap3A], %swap3A_281 {strides = array<i32>} : memref<800xi32, #tpu.memory_space<vmem>>, vector<16xi32>,
      %scan3A_282 = arith.constant 0 : i32
      scf.yield %scan3A_282 : i32
    }
    %scan3A_150 = arith.constant 50 : i32
    %dma_start3A_151 = arith.constant 0 : i32
    %dma_start3A_152 = arith.constant 0 : i32
    %dma_start3A_153 = tpu.memref_slice %arg4[%dma_start3A_151, %dma_start3A_152] : memref<100000x64xf32, #tpu.memory_space<hbm>> -> memref<100000x64xf32, #tpu.memory_space<hbm>>
    tpu.enqueue_indirect_dma source(%dma_start3A_153 : memref<100000x64xf32, #tpu.memory_space<hbm>>) target(%arg14 : memref<800x64xf32, #tpu.memory_space<vmem>>) offsets(%arg8 : memref<800xi32, #tpu.memory_space<vmem>>) semaphore(%arg16 : memref<!tpu.dma_semaphore, #tpu.memory_space<semaphore_mem>>)
    %dma_wait3A_154 = arith.constant 0 : i32
    %dma_wait3A_155 = arith.constant 0 : i32
    %dma_wait3A_156 = tpu.memref_slice %arg5[%dma_wait3A_154, %dma_wait3A_155] : memref<600x64xf32, #tpu.memory_space<hbm>> -> memref<600x64xf32, #tpu.memory_space<hbm>>
    tpu.wait_indirect_dma semaphore(%arg17 : memref<!tpu.dma_semaphore, #tpu.memory_space<semaphore_mem>>) src(%dma_wait3A_156 : memref<600x64xf32, #tpu.memory_space<hbm>>) dst(%arg13 : memref<800x64xf32, #tpu.memory_space<vmem>>)
    %add3A_157 = arith.constant 3200 : i32
    %add3A_158 = arith.addi %mul3A_2, %add3A_157 : i32
    %dma_start3A_159 = arith.constant 0 : i32
    %dma_start3A_160 = tpu.memref_slice %arg6[%add3A_158, %dma_start3A_159] : memref<204800x64xf32, #tpu.memory_space<hbm>> -> memref<800x64xf32, #tpu.memory_space<hbm>>
    %dma_start3A_161 = arith.constant 0 : i32
    %dma_start3A_162 = tpu.memref_slice %arg6[%add3A_158, %dma_start3A_161] : memref<204800x64xf32, #tpu.memory_space<hbm>> -> memref<800x64xf32, #tpu.memory_space<hbm>>
    tpu.enqueue_dma source(%arg13 : memref<800x64xf32, #tpu.memory_space<vmem>>) target(%dma_start3A_162 : memref<800x64xf32, #tpu.memory_space<hbm>>) target_semaphore(%arg19 : memref<!tpu.dma_semaphore, #tpu.memory_space<semaphore_mem>>)
    %dma_wait3A_163 = arith.constant 0 : i32
    %dma_wait3A_164 = arith.constant 0 : i32
    %dma_wait3A_165 = tpu.memref_slice %arg4[%dma_wait3A_163, %dma_wait3A_164] : memref<100000x64xf32, #tpu.memory_space<hbm>> -> memref<100000x64xf32, #tpu.memory_space<hbm>>
    tpu.wait_indirect_dma semaphore(%arg16 : memref<!tpu.dma_semaphore, #tpu.memory_space<semaphore_mem>>) src(%dma_wait3A_165 : memref<100000x64xf32, #tpu.memory_space<hbm>>) dst(%arg14 : memref<800x64xf32, #tpu.memory_space<vmem>>)
    %dma_start3A_166 = arith.constant 0 : i32
    %dma_start3A_167 = arith.constant 0 : i32
    %dma_start3A_168 = tpu.memref_slice %arg5[%dma_start3A_166, %dma_start3A_167] : memref<600x64xf32, #tpu.memory_space<hbm>> -> memref<600x64xf32, #tpu.memory_space<hbm>>
    tpu.enqueue_indirect_dma source(%dma_start3A_168 : memref<600x64xf32, #tpu.memory_space<hbm>>) target(%arg14 : memref<800x64xf32, #tpu.memory_space<vmem>>) offsets(%arg12 : memref<800xi32, #tpu.memory_space<vmem>>) semaphore(%arg18 : memref<!tpu.dma_semaphore, #tpu.memory_space<semaphore_mem>>) {add = true}
    %dma_wait3A_169 = arith.constant 0 : i32
    %dma_wait3A_170 = tpu.memref_slice %arg6[%add3A_158, %dma_wait3A_169] : memref<204800x64xf32, #tpu.memory_space<hbm>> -> memref<800x64xf32, #tpu.memory_space<hbm>>
    %dma_wait3A_171 = arith.constant 0 : i32
    %dma_wait3A_172 = tpu.memref_slice %arg6[%add3A_158, %dma_wait3A_171] : memref<204800x64xf32, #tpu.memory_space<hbm>> -> memref<800x64xf32, #tpu.memory_space<hbm>>
    tpu.wait_dma2 semaphore(%arg19 : memref<!tpu.dma_semaphore, #tpu.memory_space<semaphore_mem>>) src(%arg13 : memref<800x64xf32, #tpu.memory_space<vmem>>) dst(%dma_wait3A_172 : memref<800x64xf32, #tpu.memory_space<hbm>>)
    %add3A_173 = arith.constant 4800 : i32
    %add3A_174 = arith.addi %mul3A_2, %add3A_173 : i32
    "tpu.region"() ({
      %run_scoped3A = tpu.sem_alloc : memref<!tpu.dma_semaphore, #tpu.memory_space<semaphore_mem>>
      %dma_start3A_248 = tpu.memref_slice %arg2[%add3A_174] : memref<204800xi32, #tpu.memory_space<hbm>> -> memref<800xi32, #tpu.memory_space<hbm>>
      %dma_start3A_249 = tpu.memref_slice %arg2[%add3A_174] : memref<204800xi32, #tpu.memory_space<hbm>> -> memref<800xi32, #tpu.memory_space<hbm>>
      tpu.enqueue_dma source(%dma_start3A_249 : memref<800xi32, #tpu.memory_space<hbm>>) target(%arg7 : memref<800xi32, #tpu.memory_space<vmem>>) target_semaphore(%run_scoped3A : memref<!tpu.dma_semaphore, #tpu.memory_space<semaphore_mem>>)
      %dma_wait3A_250 = tpu.memref_slice %arg2[%add3A_174] : memref<204800xi32, #tpu.memory_space<hbm>> -> memref<800xi32, #tpu.memory_space<hbm>>
      %dma_wait3A_251 = tpu.memref_slice %arg2[%add3A_174] : memref<204800xi32, #tpu.memory_space<hbm>> -> memref<800xi32, #tpu.memory_space<hbm>>
      tpu.wait_dma2 semaphore(%run_scoped3A : memref<!tpu.dma_semaphore, #tpu.memory_space<semaphore_mem>>) src(%dma_wait3A_251 : memref<800xi32, #tpu.memory_space<hbm>>) dst(%arg7 : memref<800xi32, #tpu.memory_space<vmem>>)
      tpu.yield
    }) : () -> ()
    "tpu.region"() ({
      %run_scoped3A = tpu.sem_alloc : memref<!tpu.dma_semaphore, #tpu.memory_space<semaphore_mem>>
      %dma_start3A_248 = tpu.memref_slice %arg3[%add3A_174] : memref<204800xi32, #tpu.memory_space<hbm>> -> memref<800xi32, #tpu.memory_space<hbm>>
      %dma_start3A_249 = tpu.memref_slice %arg3[%add3A_174] : memref<204800xi32, #tpu.memory_space<hbm>> -> memref<800xi32, #tpu.memory_space<hbm>>
      tpu.enqueue_dma source(%dma_start3A_249 : memref<800xi32, #tpu.memory_space<hbm>>) target(%arg9 : memref<800xi32, #tpu.memory_space<vmem>>) target_semaphore(%run_scoped3A : memref<!tpu.dma_semaphore, #tpu.memory_space<semaphore_mem>>)
      %dma_wait3A_250 = tpu.memref_slice %arg3[%add3A_174] : memref<204800xi32, #tpu.memory_space<hbm>> -> memref<800xi32, #tpu.memory_space<hbm>>
      %dma_wait3A_251 = tpu.memref_slice %arg3[%add3A_174] : memref<204800xi32, #tpu.memory_space<hbm>> -> memref<800xi32, #tpu.memory_space<hbm>>
      tpu.wait_dma2 semaphore(%run_scoped3A : memref<!tpu.dma_semaphore, #tpu.memory_space<semaphore_mem>>) src(%dma_wait3A_251 : memref<800xi32, #tpu.memory_space<hbm>>) dst(%arg9 : memref<800xi32, #tpu.memory_space<vmem>>)
      tpu.yield
    }) : () -> ()
    %scan3A_175 = arith.constant 0 : i32
    %scan3A_176 = arith.constant 0 : i32
    %scan3A_177 = arith.constant 50 : i32
    %scan3A_178 = arith.addi %scan3A_176, %scan3A_177 : i32
    %scan3A_179 = arith.constant 1 : i32
    %scan3A_180 = scf.for %scan3A_248 = %scan3A_176 to %scan3A_178 step %scan3A_179 iter_args(%scan3A_249 = %scan3A_175) -> (i32)  : i32 {
      %mul3A_250 = arith.constant 16 : i32
      %mul3A_251 = arith.muli %scan3A_248, %mul3A_250 : i32
      %get3A = arith.index_cast %mul3A_251 : i32 to index
      %get3A_252 = tpu.vector_load %arg9[%get3A] {strides = array<i32>} : memref<800xi32, #tpu.memory_space<vmem>>, vector<16xi32>,
      %get3A_253 = vector.shape_cast %get3A_252 : vector<16xi32> to vector<16xi32>
      %mul3A_254 = arith.constant 16 : i32
      %mul3A_255 = arith.muli %scan3A_248, %mul3A_254 : i32
      %iota3A = tpu.iota {dimensions = array<i32: 0>} : vector<16xi32>
      %add3A_256 = vector.broadcast %mul3A_255 : i32 to vector<16xi32>
      %add3A_257 = arith.addi %add3A_256, %iota3A : vector<16xi32>
      %jit3A = arith.constant 200 : i32
      %eq3A = arith.constant 0 : i32
      %eq3A_258 = arith.cmpi eq, %jit3A, %eq3A : i32
      %jit3A_259 = arith.constant 1 : i32
      %select_n3A = arith.select %eq3A_258, %jit3A_259, %jit3A : i32
      %rem3A = vector.broadcast %select_n3A : i32 to vector<16xi32>
      %rem3A_260 = arith.remsi %add3A_257, %rem3A : vector<16xi32>
      %ne3A = arith.constant 0 : i32
      %ne3A_261 = vector.broadcast %ne3A : i32 to vector<16xi32>
      %ne3A_262 = arith.cmpi ne, %rem3A_260, %ne3A_261 : vector<16xi32>
      %lt3A = arith.constant 0 : i32
      %lt3A_263 = vector.broadcast %lt3A : i32 to vector<16xi32>
      %lt3A_264 = arith.cmpi slt, %rem3A_260, %lt3A_263 : vector<16xi32>
      %lt3A_265 = arith.constant 0 : i32
      %lt3A_266 = arith.cmpi slt, %select_n3A, %lt3A_265 : i32
      %ne3A_267 = vector.broadcast %lt3A_266 : i1 to vector<16xi1>
      %ne3A_268 = vector.broadcast %ne3A_267 : vector<16xi1> to vector<16xi1>
      %ne3A_269 = arith.xori %lt3A_264, %ne3A_268 : vector<16xi1>
      %and3A = arith.andi %ne3A_269, %ne3A_262 : vector<16xi1>
      %add3A_270 = vector.broadcast %select_n3A : i32 to vector<16xi32>
      %add3A_271 = arith.addi %rem3A_260, %add3A_270 : vector<16xi32>
      %select_n3A_272 = arith.select %and3A, %add3A_271, %rem3A_260 : vector<16xi1>, vector<16xi32>
      %mul3A_273 = arith.constant 200 : i32
      %mul3A_274 = vector.broadcast %mul3A_273 : i32 to vector<16xi32>
      %mul3A_275 = arith.muli %get3A_253, %mul3A_274 : vector<16xi32>
      %add3A_276 = arith.addi %mul3A_275, %select_n3A_272 : vector<16xi32>
      %mul3A_277 = arith.constant 16 : i32
      %mul3A_278 = arith.muli %scan3A_248, %mul3A_277 : i32
      %swap3A = arith.index_cast %mul3A_278 : i32 to index
      %swap3A_279 = tpu.vector_load %arg11[%swap3A] {strides = array<i32>} : memref<800xi32, #tpu.memory_space<vmem>>, vector<16xi32>,
      %swap3A_280 = vector.shape_cast %swap3A_279 : vector<16xi32> to vector<16xi32>
      %swap3A_281 = vector.shape_cast %add3A_276 : vector<16xi32> to vector<16xi32>
      tpu.vector_store %arg11[%swap3A], %swap3A_281 {strides = array<i32>} : memref<800xi32, #tpu.memory_space<vmem>>, vector<16xi32>,
      %scan3A_282 = arith.constant 0 : i32
      scf.yield %scan3A_282 : i32
    }
    %scan3A_181 = arith.constant 50 : i32
    %dma_start3A_182 = arith.constant 0 : i32
    %dma_start3A_183 = arith.constant 0 : i32
    %dma_start3A_184 = tpu.memref_slice %arg4[%dma_start3A_182, %dma_start3A_183] : memref<100000x64xf32, #tpu.memory_space<hbm>> -> memref<100000x64xf32, #tpu.memory_space<hbm>>
    tpu.enqueue_indirect_dma source(%dma_start3A_184 : memref<100000x64xf32, #tpu.memory_space<hbm>>) target(%arg13 : memref<800x64xf32, #tpu.memory_space<vmem>>) offsets(%arg7 : memref<800xi32, #tpu.memory_space<vmem>>) semaphore(%arg15 : memref<!tpu.dma_semaphore, #tpu.memory_space<semaphore_mem>>)
    %dma_wait3A_185 = arith.constant 0 : i32
    %dma_wait3A_186 = arith.constant 0 : i32
    %dma_wait3A_187 = tpu.memref_slice %arg5[%dma_wait3A_185, %dma_wait3A_186] : memref<600x64xf32, #tpu.memory_space<hbm>> -> memref<600x64xf32, #tpu.memory_space<hbm>>
    tpu.wait_indirect_dma semaphore(%arg18 : memref<!tpu.dma_semaphore, #tpu.memory_space<semaphore_mem>>) src(%dma_wait3A_187 : memref<600x64xf32, #tpu.memory_space<hbm>>) dst(%arg14 : memref<800x64xf32, #tpu.memory_space<vmem>>)
    %add3A_188 = arith.constant 4000 : i32
    %add3A_189 = arith.addi %mul3A_2, %add3A_188 : i32
    %dma_start3A_190 = arith.constant 0 : i32
    %dma_start3A_191 = tpu.memref_slice %arg6[%add3A_189, %dma_start3A_190] : memref<204800x64xf32, #tpu.memory_space<hbm>> -> memref<800x64xf32, #tpu.memory_space<hbm>>
    %dma_start3A_192 = arith.constant 0 : i32
    %dma_start3A_193 = tpu.memref_slice %arg6[%add3A_189, %dma_start3A_192] : memref<204800x64xf32, #tpu.memory_space<hbm>> -> memref<800x64xf32, #tpu.memory_space<hbm>>
    tpu.enqueue_dma source(%arg14 : memref<800x64xf32, #tpu.memory_space<vmem>>) target(%dma_start3A_193 : memref<800x64xf32, #tpu.memory_space<hbm>>) target_semaphore(%arg20 : memref<!tpu.dma_semaphore, #tpu.memory_space<semaphore_mem>>)
    %dma_wait3A_194 = arith.constant 0 : i32
    %dma_wait3A_195 = arith.constant 0 : i32
    %dma_wait3A_196 = tpu.memref_slice %arg4[%dma_wait3A_194, %dma_wait3A_195] : memref<100000x64xf32, #tpu.memory_space<hbm>> -> memref<100000x64xf32, #tpu.memory_space<hbm>>
    tpu.wait_indirect_dma semaphore(%arg15 : memref<!tpu.dma_semaphore, #tpu.memory_space<semaphore_mem>>) src(%dma_wait3A_196 : memref<100000x64xf32, #tpu.memory_space<hbm>>) dst(%arg13 : memref<800x64xf32, #tpu.memory_space<vmem>>)
    %dma_start3A_197 = arith.constant 0 : i32
    %dma_start3A_198 = arith.constant 0 : i32
    %dma_start3A_199 = tpu.memref_slice %arg5[%dma_start3A_197, %dma_start3A_198] : memref<600x64xf32, #tpu.memory_space<hbm>> -> memref<600x64xf32, #tpu.memory_space<hbm>>
    tpu.enqueue_indirect_dma source(%dma_start3A_199 : memref<600x64xf32, #tpu.memory_space<hbm>>) target(%arg13 : memref<800x64xf32, #tpu.memory_space<vmem>>) offsets(%arg11 : memref<800xi32, #tpu.memory_space<vmem>>) semaphore(%arg17 : memref<!tpu.dma_semaphore, #tpu.memory_space<semaphore_mem>>) {add = true}
    %dma_wait3A_200 = arith.constant 0 : i32
    %dma_wait3A_201 = tpu.memref_slice %arg6[%add3A_189, %dma_wait3A_200] : memref<204800x64xf32, #tpu.memory_space<hbm>> -> memref<800x64xf32, #tpu.memory_space<hbm>>
    %dma_wait3A_202 = arith.constant 0 : i32
    %dma_wait3A_203 = tpu.memref_slice %arg6[%add3A_189, %dma_wait3A_202] : memref<204800x64xf32, #tpu.memory_space<hbm>> -> memref<800x64xf32, #tpu.memory_space<hbm>>
    tpu.wait_dma2 semaphore(%arg20 : memref<!tpu.dma_semaphore, #tpu.memory_space<semaphore_mem>>) src(%arg14 : memref<800x64xf32, #tpu.memory_space<vmem>>) dst(%dma_wait3A_203 : memref<800x64xf32, #tpu.memory_space<hbm>>)
    %add3A_204 = arith.constant 5600 : i32
    %add3A_205 = arith.addi %mul3A_2, %add3A_204 : i32
    "tpu.region"() ({
      %run_scoped3A = tpu.sem_alloc : memref<!tpu.dma_semaphore, #tpu.memory_space<semaphore_mem>>
      %dma_start3A_248 = tpu.memref_slice %arg2[%add3A_205] : memref<204800xi32, #tpu.memory_space<hbm>> -> memref<800xi32, #tpu.memory_space<hbm>>
      %dma_start3A_249 = tpu.memref_slice %arg2[%add3A_205] : memref<204800xi32, #tpu.memory_space<hbm>> -> memref<800xi32, #tpu.memory_space<hbm>>
      tpu.enqueue_dma source(%dma_start3A_249 : memref<800xi32, #tpu.memory_space<hbm>>) target(%arg8 : memref<800xi32, #tpu.memory_space<vmem>>) target_semaphore(%run_scoped3A : memref<!tpu.dma_semaphore, #tpu.memory_space<semaphore_mem>>)
      %dma_wait3A_250 = tpu.memref_slice %arg2[%add3A_205] : memref<204800xi32, #tpu.memory_space<hbm>> -> memref<800xi32, #tpu.memory_space<hbm>>
      %dma_wait3A_251 = tpu.memref_slice %arg2[%add3A_205] : memref<204800xi32, #tpu.memory_space<hbm>> -> memref<800xi32, #tpu.memory_space<hbm>>
      tpu.wait_dma2 semaphore(%run_scoped3A : memref<!tpu.dma_semaphore, #tpu.memory_space<semaphore_mem>>) src(%dma_wait3A_251 : memref<800xi32, #tpu.memory_space<hbm>>) dst(%arg8 : memref<800xi32, #tpu.memory_space<vmem>>)
      tpu.yield
    }) : () -> ()
    "tpu.region"() ({
      %run_scoped3A = tpu.sem_alloc : memref<!tpu.dma_semaphore, #tpu.memory_space<semaphore_mem>>
      %dma_start3A_248 = tpu.memref_slice %arg3[%add3A_205] : memref<204800xi32, #tpu.memory_space<hbm>> -> memref<800xi32, #tpu.memory_space<hbm>>
      %dma_start3A_249 = tpu.memref_slice %arg3[%add3A_205] : memref<204800xi32, #tpu.memory_space<hbm>> -> memref<800xi32, #tpu.memory_space<hbm>>
      tpu.enqueue_dma source(%dma_start3A_249 : memref<800xi32, #tpu.memory_space<hbm>>) target(%arg10 : memref<800xi32, #tpu.memory_space<vmem>>) target_semaphore(%run_scoped3A : memref<!tpu.dma_semaphore, #tpu.memory_space<semaphore_mem>>)
      %dma_wait3A_250 = tpu.memref_slice %arg3[%add3A_205] : memref<204800xi32, #tpu.memory_space<hbm>> -> memref<800xi32, #tpu.memory_space<hbm>>
      %dma_wait3A_251 = tpu.memref_slice %arg3[%add3A_205] : memref<204800xi32, #tpu.memory_space<hbm>> -> memref<800xi32, #tpu.memory_space<hbm>>
      tpu.wait_dma2 semaphore(%run_scoped3A : memref<!tpu.dma_semaphore, #tpu.memory_space<semaphore_mem>>) src(%dma_wait3A_251 : memref<800xi32, #tpu.memory_space<hbm>>) dst(%arg10 : memref<800xi32, #tpu.memory_space<vmem>>)
      tpu.yield
    }) : () -> ()
    %scan3A_206 = arith.constant 0 : i32
    %scan3A_207 = arith.constant 0 : i32
    %scan3A_208 = arith.constant 50 : i32
    %scan3A_209 = arith.addi %scan3A_207, %scan3A_208 : i32
    %scan3A_210 = arith.constant 1 : i32
    %scan3A_211 = scf.for %scan3A_248 = %scan3A_207 to %scan3A_209 step %scan3A_210 iter_args(%scan3A_249 = %scan3A_206) -> (i32)  : i32 {
      %mul3A_250 = arith.constant 16 : i32
      %mul3A_251 = arith.muli %scan3A_248, %mul3A_250 : i32
      %get3A = arith.index_cast %mul3A_251 : i32 to index
      %get3A_252 = tpu.vector_load %arg10[%get3A] {strides = array<i32>} : memref<800xi32, #tpu.memory_space<vmem>>, vector<16xi32>,
      %get3A_253 = vector.shape_cast %get3A_252 : vector<16xi32> to vector<16xi32>
      %mul3A_254 = arith.constant 16 : i32
      %mul3A_255 = arith.muli %scan3A_248, %mul3A_254 : i32
      %iota3A = tpu.iota {dimensions = array<i32: 0>} : vector<16xi32>
      %add3A_256 = vector.broadcast %mul3A_255 : i32 to vector<16xi32>
      %add3A_257 = arith.addi %add3A_256, %iota3A : vector<16xi32>
      %jit3A = arith.constant 200 : i32
      %eq3A = arith.constant 0 : i32
      %eq3A_258 = arith.cmpi eq, %jit3A, %eq3A : i32
      %jit3A_259 = arith.constant 1 : i32
      %select_n3A = arith.select %eq3A_258, %jit3A_259, %jit3A : i32
      %rem3A = vector.broadcast %select_n3A : i32 to vector<16xi32>
      %rem3A_260 = arith.remsi %add3A_257, %rem3A : vector<16xi32>
      %ne3A = arith.constant 0 : i32
      %ne3A_261 = vector.broadcast %ne3A : i32 to vector<16xi32>
      %ne3A_262 = arith.cmpi ne, %rem3A_260, %ne3A_261 : vector<16xi32>
      %lt3A = arith.constant 0 : i32
      %lt3A_263 = vector.broadcast %lt3A : i32 to vector<16xi32>
      %lt3A_264 = arith.cmpi slt, %rem3A_260, %lt3A_263 : vector<16xi32>
      %lt3A_265 = arith.constant 0 : i32
      %lt3A_266 = arith.cmpi slt, %select_n3A, %lt3A_265 : i32
      %ne3A_267 = vector.broadcast %lt3A_266 : i1 to vector<16xi1>
      %ne3A_268 = vector.broadcast %ne3A_267 : vector<16xi1> to vector<16xi1>
      %ne3A_269 = arith.xori %lt3A_264, %ne3A_268 : vector<16xi1>
      %and3A = arith.andi %ne3A_269, %ne3A_262 : vector<16xi1>
      %add3A_270 = vector.broadcast %select_n3A : i32 to vector<16xi32>
      %add3A_271 = arith.addi %rem3A_260, %add3A_270 : vector<16xi32>
      %select_n3A_272 = arith.select %and3A, %add3A_271, %rem3A_260 : vector<16xi1>, vector<16xi32>
      %mul3A_273 = arith.constant 200 : i32
      %mul3A_274 = vector.broadcast %mul3A_273 : i32 to vector<16xi32>
      %mul3A_275 = arith.muli %get3A_253, %mul3A_274 : vector<16xi32>
      %add3A_276 = arith.addi %mul3A_275, %select_n3A_272 : vector<16xi32>
      %mul3A_277 = arith.constant 16 : i32
      %mul3A_278 = arith.muli %scan3A_248, %mul3A_277 : i32
      %swap3A = arith.index_cast %mul3A_278 : i32 to index
      %swap3A_279 = tpu.vector_load %arg12[%swap3A] {strides = array<i32>} : memref<800xi32, #tpu.memory_space<vmem>>, vector<16xi32>,
      %swap3A_280 = vector.shape_cast %swap3A_279 : vector<16xi32> to vector<16xi32>
      %swap3A_281 = vector.shape_cast %add3A_276 : vector<16xi32> to vector<16xi32>
      tpu.vector_store %arg12[%swap3A], %swap3A_281 {strides = array<i32>} : memref<800xi32, #tpu.memory_space<vmem>>, vector<16xi32>,
      %scan3A_282 = arith.constant 0 : i32
      scf.yield %scan3A_282 : i32
    }
    %scan3A_212 = arith.constant 50 : i32
    %dma_start3A_213 = arith.constant 0 : i32
    %dma_start3A_214 = arith.constant 0 : i32
    %dma_start3A_215 = tpu.memref_slice %arg4[%dma_start3A_213, %dma_start3A_214] : memref<100000x64xf32, #tpu.memory_space<hbm>> -> memref<100000x64xf32, #tpu.memory_space<hbm>>
    tpu.enqueue_indirect_dma source(%dma_start3A_215 : memref<100000x64xf32, #tpu.memory_space<hbm>>) target(%arg14 : memref<800x64xf32, #tpu.memory_space<vmem>>) offsets(%arg8 : memref<800xi32, #tpu.memory_space<vmem>>) semaphore(%arg16 : memref<!tpu.dma_semaphore, #tpu.memory_space<semaphore_mem>>)
    %dma_wait3A_216 = arith.constant 0 : i32
    %dma_wait3A_217 = arith.constant 0 : i32
    %dma_wait3A_218 = tpu.memref_slice %arg5[%dma_wait3A_216, %dma_wait3A_217] : memref<600x64xf32, #tpu.memory_space<hbm>> -> memref<600x64xf32, #tpu.memory_space<hbm>>
    tpu.wait_indirect_dma semaphore(%arg17 : memref<!tpu.dma_semaphore, #tpu.memory_space<semaphore_mem>>) src(%dma_wait3A_218 : memref<600x64xf32, #tpu.memory_space<hbm>>) dst(%arg13 : memref<800x64xf32, #tpu.memory_space<vmem>>)
    %add3A_219 = arith.constant 4800 : i32
    %add3A_220 = arith.addi %mul3A_2, %add3A_219 : i32
    %dma_start3A_221 = arith.constant 0 : i32
    %dma_start3A_222 = tpu.memref_slice %arg6[%add3A_220, %dma_start3A_221] : memref<204800x64xf32, #tpu.memory_space<hbm>> -> memref<800x64xf32, #tpu.memory_space<hbm>>
    %dma_start3A_223 = arith.constant 0 : i32
    %dma_start3A_224 = tpu.memref_slice %arg6[%add3A_220, %dma_start3A_223] : memref<204800x64xf32, #tpu.memory_space<hbm>> -> memref<800x64xf32, #tpu.memory_space<hbm>>
    tpu.enqueue_dma source(%arg13 : memref<800x64xf32, #tpu.memory_space<vmem>>) target(%dma_start3A_224 : memref<800x64xf32, #tpu.memory_space<hbm>>) target_semaphore(%arg19 : memref<!tpu.dma_semaphore, #tpu.memory_space<semaphore_mem>>)
    %dma_wait3A_225 = arith.constant 0 : i32
    %dma_wait3A_226 = arith.constant 0 : i32
    %dma_wait3A_227 = tpu.memref_slice %arg4[%dma_wait3A_225, %dma_wait3A_226] : memref<100000x64xf32, #tpu.memory_space<hbm>> -> memref<100000x64xf32, #tpu.memory_space<hbm>>
    tpu.wait_indirect_dma semaphore(%arg16 : memref<!tpu.dma_semaphore, #tpu.memory_space<semaphore_mem>>) src(%dma_wait3A_227 : memref<100000x64xf32, #tpu.memory_space<hbm>>) dst(%arg14 : memref<800x64xf32, #tpu.memory_space<vmem>>)
    %dma_start3A_228 = arith.constant 0 : i32
    %dma_start3A_229 = arith.constant 0 : i32
    %dma_start3A_230 = tpu.memref_slice %arg5[%dma_start3A_228, %dma_start3A_229] : memref<600x64xf32, #tpu.memory_space<hbm>> -> memref<600x64xf32, #tpu.memory_space<hbm>>
    tpu.enqueue_indirect_dma source(%dma_start3A_230 : memref<600x64xf32, #tpu.memory_space<hbm>>) target(%arg14 : memref<800x64xf32, #tpu.memory_space<vmem>>) offsets(%arg12 : memref<800xi32, #tpu.memory_space<vmem>>) semaphore(%arg18 : memref<!tpu.dma_semaphore, #tpu.memory_space<semaphore_mem>>) {add = true}
    %dma_wait3A_231 = arith.constant 0 : i32
    %dma_wait3A_232 = arith.constant 0 : i32
    %dma_wait3A_233 = tpu.memref_slice %arg5[%dma_wait3A_231, %dma_wait3A_232] : memref<600x64xf32, #tpu.memory_space<hbm>> -> memref<600x64xf32, #tpu.memory_space<hbm>>
    tpu.wait_indirect_dma semaphore(%arg18 : memref<!tpu.dma_semaphore, #tpu.memory_space<semaphore_mem>>) src(%dma_wait3A_233 : memref<600x64xf32, #tpu.memory_space<hbm>>) dst(%arg14 : memref<800x64xf32, #tpu.memory_space<vmem>>)
    %add3A_234 = arith.constant 5600 : i32
    %add3A_235 = arith.addi %mul3A_2, %add3A_234 : i32
    %dma_start3A_236 = arith.constant 0 : i32
    %dma_start3A_237 = tpu.memref_slice %arg6[%add3A_235, %dma_start3A_236] : memref<204800x64xf32, #tpu.memory_space<hbm>> -> memref<800x64xf32, #tpu.memory_space<hbm>>
    %dma_start3A_238 = arith.constant 0 : i32
    %dma_start3A_239 = tpu.memref_slice %arg6[%add3A_235, %dma_start3A_238] : memref<204800x64xf32, #tpu.memory_space<hbm>> -> memref<800x64xf32, #tpu.memory_space<hbm>>
    tpu.enqueue_dma source(%arg14 : memref<800x64xf32, #tpu.memory_space<vmem>>) target(%dma_start3A_239 : memref<800x64xf32, #tpu.memory_space<hbm>>) target_semaphore(%arg20 : memref<!tpu.dma_semaphore, #tpu.memory_space<semaphore_mem>>)
    %dma_wait3A_240 = arith.constant 0 : i32
    %dma_wait3A_241 = tpu.memref_slice %arg6[%add3A_220, %dma_wait3A_240] : memref<204800x64xf32, #tpu.memory_space<hbm>> -> memref<800x64xf32, #tpu.memory_space<hbm>>
    %dma_wait3A_242 = arith.constant 0 : i32
    %dma_wait3A_243 = tpu.memref_slice %arg6[%add3A_220, %dma_wait3A_242] : memref<204800x64xf32, #tpu.memory_space<hbm>> -> memref<800x64xf32, #tpu.memory_space<hbm>>
    tpu.wait_dma2 semaphore(%arg19 : memref<!tpu.dma_semaphore, #tpu.memory_space<semaphore_mem>>) src(%arg13 : memref<800x64xf32, #tpu.memory_space<vmem>>) dst(%dma_wait3A_243 : memref<800x64xf32, #tpu.memory_space<hbm>>)
    %dma_wait3A_244 = arith.constant 0 : i32
    %dma_wait3A_245 = tpu.memref_slice %arg6[%add3A_235, %dma_wait3A_244] : memref<204800x64xf32, #tpu.memory_space<hbm>> -> memref<800x64xf32, #tpu.memory_space<hbm>>
    %dma_wait3A_246 = arith.constant 0 : i32
    %dma_wait3A_247 = tpu.memref_slice %arg6[%add3A_235, %dma_wait3A_246] : memref<204800x64xf32, #tpu.memory_space<hbm>> -> memref<800x64xf32, #tpu.memory_space<hbm>>
    tpu.wait_dma2 semaphore(%arg20 : memref<!tpu.dma_semaphore, #tpu.memory_space<semaphore_mem>>) src(%arg14 : memref<800x64xf32, #tpu.memory_space<vmem>>) dst(%dma_wait3A_247 : memref<800x64xf32, #tpu.memory_space<hbm>>)
    return
  }
}

module attributes {stable_mosaic.version = 14 : i64} {
  func.func @_comb_body(%arg0: memref<3x64xf32, #tpu.memory_space<vmem>>, %arg1: memref<200x64xf32, #tpu.memory_space<vmem>>, %arg2: memref<600x64xf32, #tpu.memory_space<vmem>>) attributes {dimension_semantics = [], scalar_prefetch = 0 : i64, scratch_operands = 0 : i64, tpu.core_type = #tpu.core_type<tc>} {
    %get3A = arith.constant 0 : index
    %get3A_0 = arith.constant 0 : index
    %get3A_1 = vector.load %arg0[%get3A, %get3A_0] : memref<3x64xf32, #tpu.memory_space<vmem>>, vector<3x64xf32>
    %get3A_2 = arith.constant 0 : index
    %get3A_3 = arith.constant 0 : index
    %get3A_4 = vector.load %arg1[%get3A_2, %get3A_3] : memref<200x64xf32, #tpu.memory_space<vmem>>, vector<200x64xf32>
    %broadcast_in_dim3A = vector.shape_cast %get3A_1 : vector<3x64xf32> to vector<3x1x64xf32>
    %broadcast_in_dim3A_5 = vector.shape_cast %get3A_4 : vector<200x64xf32> to vector<1x200x64xf32>
    %add3A = vector.broadcast %broadcast_in_dim3A : vector<3x1x64xf32> to vector<3x200x64xf32>
    %add3A_6 = vector.broadcast %broadcast_in_dim3A_5 : vector<1x200x64xf32> to vector<3x200x64xf32>
    %add3A_7 = arith.addf %add3A, %add3A_6 : vector<3x200x64xf32>
    %reshape3A = vector.shape_cast %add3A_7 : vector<3x200x64xf32> to vector<600x64xf32>
    %swap3A = arith.constant 0 : index
    %swap3A_8 = arith.constant 0 : index
    %swap3A_9 = vector.load %arg2[%swap3A, %swap3A_8] : memref<600x64xf32, #tpu.memory_space<vmem>>, vector<600x64xf32>
    tpu.vector_store %arg2[%swap3A, %swap3A_8], %reshape3A {strides = array<i32>} : memref<600x64xf32, #tpu.memory_space<vmem>>, vector<600x64xf32>,
    return
  }
}

</mosaic_0001>

<sc_bundles>
// kernel: kernel.4.cloned.1.call-start
scs
__scs_entry_jumppad:
0x0: {  	(pc) =	sbr.rel $0x88, $3  }
0x1: {  	(tag) =	ssettag $0x0;
	lr =	simm.s32 $0x1  }
0x2: {  	[smem:$0x3F9C] =	sst lr;
	_ =	strace $0xD0000000  }
0x3: {  	_ = 	snop  }
0x4: {  	_ = 	snop  }
0x5: {  	_ = 	snop  }
0x6: {  	_ = 	snop  }
0x7: {  	_ = 	snop  }
__scs_overlays_trampoline_lowered:
0x8: {  	[smem:$0x3FAB] =	sst s0  }
0x9: {  	[smem:$0x3FAC] =	sst s1  }
0xa: {  	[smem:$0x3FAD] =	sst s2  }
0xb: {  	[smem:$0x3FAE] =	sst s3  }
0xc: {  	[smem:$0x3FAF] =	sst s4  }
0xd: {  	[smem:$0x3FB0] =	sst s5  }
0xe: {  	[smem:$0x3FB1] =	sst s6  }
0xf: {  	[smem:$0x3FB2] =	sst s7  }
0x10: {  	[smem:$0x3FB3] =	sst s8  }
0x11: {  	[smem:$0x3FB4] =	sst s9;
	s0 =	simm.s32 @!p0 $0x0  }
0x12: {  	s1 =	sld [smem:$0x3F9A];
	s0 =	simm.s32 @p0 $0x1  }
0x13: {  	[smem:$0x3FB5] =	sst s0;
	s0 =	simm.s32 @!p1 $0x0  }
0x14: {  	s2 =	sld [smem:$0x3F99];
	s0 =	simm.s32 @p1 $0x1  }
0x15: {  	[smem:$0x3FB6] =	sst s0;
	s0 =	simm.s32 @!p2 $0x0  }
0x16: {  	s3 =	sld [smem:$0x3FDB];
	s0 =	simm.s32 @p2 $0x1  }
0x17: {  	s4 =	simm.s32 $0x1BF5;
	[smem:$0x3FB8] =	sst s0  }
0x18: {  	s0 =	sld [smem:$0x3F9B];
	_ =	swait.ge [sflag:s4], $0x0  }
0x19: {  	s7 =	sld [smem:$0x3F9C]  }
0x1a: {  	s8 =	sadd.s32 $0xFFFFE003, lr  }
0x1b: {  	s9 =	sadd.s32 $0xFFFFFEF7, lr;
	s5 =	simm.s32 $0xFFFFFFFF;
	p2 =	slt.u32 s8, $0xFFFFF086  }
0x1c: {  	p1 =	slt.u32 s9, $0xF7A;
	s5 =	simm.s32 @!p2 $0x0  }
0x1d: {  	s5 =	simm.s32 @p1 $0x1;
	p0 =	seq.s32 s7, s2  }
0x1e: {  	s7 =	smul.u32 @!p0 $0xF7A, s2;
	p2 =	seq.s32 @!p0 s5, $0x0  }
0x1f: {  	s9 =	smul.u32 $0xF7A, s1;
	s8 =	simm.s32 @!p0 $0x1BF5;
	p2 =	por !p2, p0  }
0x20: {  	[sflag:s8] =	ssyncset.s32 @!p0 $0xFFFFF086;
	s6 =	sadd.s32 @!p0 s3, s7;
	s7 =	simm.s32 @!p0 $0x108  }
0x21: {  	s3 =	sadd.s32 s3, s9;
	s6 =	sadd.s32 @!p0 $0x88, s6;
	s7 =	simm.s32 @p2 $0x1082  }
0x22: {  	[simem:s7], [sflag:s8] =	dma.local @!p0 [hbm:s6], $0xF7A  }
0x23: {  	s9 =	sor.u32 $0xD0000000, s2;
	s6 =	simm.s32 $0x108;
	_ =	swait.ge @!p0 [sflag:s8], $0x0  }
0x24: {  	s3 =	sadd.s32 $0x88, s3;
	s6 =	simm.s32 @!p1 $0x1082;
	[sflag:s4] =	ssyncset.s32 $0xFFFFF086  }
0x25: {  	[simem:s6], [sflag:s4] =	dma.local [hbm:s3], $0xF7A  }
0x26: {  	[smem:$0x3F9C] =	sst s1;
	(tag) =	ssettag s2;
	_ =	strace s9  }
0x27: {  	s1 =	sld [smem:$0x3FAC]  }
0x28: {  	s2 =	sld [smem:$0x3FAD]  }
0x29: {  	s4 =	sld [smem:$0x3FAF]  }
0x2a: {  	p0 =	seq.s32 s5, $0x0;
	s5 =	sld [smem:$0x3FB0]  }
0x2b: {  	s6 =	sld [smem:$0x3FB1]  }
0x2c: {  	s7 =	sld [smem:$0x3FB2]  }
0x2d: {  	s3 =	simm.s32 $0x108;
	s8 =	sld [smem:$0x3FB3]  }
0x2e: {  	s3 =	simm.s32 @!p0 $0x1082;
	s9 =	sld [smem:$0x3FB4]  }
0x2f: {  	lr =	sadd.s32 s0, s3;
	s0 =	sld [smem:$0x3FAB]  }
0x30: {  	s3 =	sld [smem:$0x3FAE]  }
0x31: {  	[smem:$0x3FB7] =	sst s10  }
0x32: {  	s10 =	sld [smem:$0x3FB5];
	_ =	sdelay $0x3  }
0x33: {  	p0 =	seq.s32 s10, $0x1;
	s10 =	sld [smem:$0x3FB7];
	_ =	sdelay $0x3  }
0x34: {  	[smem:$0x3FB7] =	sst s10  }
0x35: {  	s10 =	sld [smem:$0x3FB6];
	_ =	sdelay $0x3  }
0x36: {  	p1 =	seq.s32 s10, $0x1;
	s10 =	sld [smem:$0x3FB7];
	_ =	sdelay $0x3  }
0x37: {  	[smem:$0x3FB7] =	sst s10  }
0x38: {  	s10 =	sld [smem:$0x3FB8]  }
0x39: {  	_ = 	snop;
	(pc) =	sbr.ind lr, $3  }
0x3a: {  	_ = 	snop  }
0x3b: {  	_ = 	snop  }
0x3c: {  	p2 =	seq.s32 s10, $0x1;
	s10 =	sld [smem:$0x3FB7]  }
0x3d: {  	_ =	shalt  }
0x3e: {  	_ =	shalt  }
0x3f: {  	_ =	shalt  }
0x40: {  	_ =	shalt  }
0x41: {  	_ =	shalt  }
0x42: {  	_ =	shalt  }
0x43: {  	_ =	shalt  }
0x44: {  	_ =	shalt  }
0x45: {  	_ =	shalt  }
0x46: {  	_ =	shalt  }
0x47: {  	_ =	shalt  }
0x48: {  	_ =	shalt  }
0x49: {  	_ =	shalt  }
0x4a: {  	_ =	shalt  }
0x4b: {  	_ =	shalt  }
0x4c: {  	_ =	shalt  }
0x4d: {  	_ =	shalt  }
0x4e: {  	_ =	shalt  }
0x4f: {  	_ =	shalt  }
0x50: {  	_ =	shalt  }
0x51: {  	_ =	shalt  }
0x52: {  	_ =	shalt  }
0x53: {  	_ =	shalt  }
0x54: {  	_ =	shalt  }
0x55: {  	_ =	shalt  }
0x56: {  	_ =	shalt  }
0x57: {  	_ =	shalt  }
0x58: {  	_ =	shalt  }
0x59: {  	_ =	shalt  }
0x5a: {  	_ =	shalt  }
0x5b: {  	_ =	shalt  }
0x5c: {  	_ =	shalt  }
0x5d: {  	_ =	shalt  }
0x5e: {  	_ =	shalt  }
0x5f: {  	_ =	shalt  }
0x60: {  	_ =	shalt  }
0x61: {  	_ =	shalt  }
0x62: {  	_ =	shalt  }
0x63: {  	_ =	shalt  }
0x64: {  	_ =	shalt  }
0x65: {  	_ =	shalt  }
0x66: {  	_ =	shalt  }
0x67: {  	_ =	shalt  }
0x68: {  	_ =	shalt  }
0x69: {  	_ =	shalt  }
0x6a: {  	_ =	shalt  }
0x6b: {  	_ =	shalt  }
0x6c: {  	_ =	shalt  }
0x6d: {  	_ =	shalt  }
0x6e: {  	_ =	shalt  }
0x6f: {  	_ =	shalt  }
0x70: {  	_ =	shalt  }
0x71: {  	_ =	shalt  }
0x72: {  	_ =	shalt  }
0x73: {  	_ =	shalt  }
0x74: {  	_ =	shalt  }
0x75: {  	_ =	shalt  }
0x76: {  	_ =	shalt  }
0x77: {  	_ =	shalt  }
0x78: {  	_ =	shalt  }
0x79: {  	_ =	shalt  }
0x7a: {  	_ =	shalt  }
0x7b: {  	_ =	shalt  }
0x7c: {  	_ =	shalt  }
0x7d: {  	_ =	shalt  }
0x7e: {  	_ =	shalt  }
0x7f: {  	_ =	shalt  }
0x80: {  	_ =	shalt  }
0x81: {  	_ =	shalt  }
0x82: {  	_ =	shalt  }
0x83: {  	_ =	shalt  }
0x84: {  	_ =	shalt  }
0x85: {  	_ =	shalt  }
0x86: {  	_ =	shalt  }
0x87: {  	_ =	shalt  }
.Lfunc_end0:
.L_simem_size_0:
called_computation.1_lowered:
.L_overlay_start_0:
0x88: {  	s2 =	sld [smem:$0x3FD9]  }
0x89: {  	s3 =	sld [smem:$0x3FFE];
	_ =	sdelay $0x1  }
0x8a: {  	s1 =	srdreg.scid  }
0x8b: {  	s0 =	sand.u32 $0x1, s1  }
0x8c: {  	s17 =	sshll.u32 s0, $0xA;
	s2 =	sadd.s32 s3, s2  }
0x8d: {  	s2 =	sadd.s32 s2, s17  }
0x8e: {  	[smem:$0x3FC3] =	sst s2  }
0x8f: {  	_ = 	snop  }
0x90: {  	s2 =	sld [smem:$0x3FD0];
	(tm) =	ssettm $0x1  }
0x91: {  	s18 =	sld [smem:$0x3FFB];
	_ =	sdelay $0x3  }
0x92: {  	_ =	strace s18  }
0x93: {  	s3 =	sld [smem:$0x3FFC];
	_ =	sdelay $0x3  }
0x94: {  	_ =	strace s3  }
0x95: {  	s3 =	sld [smem:$0x3FFD];
	_ =	sdelay $0x3  }
0x96: {  	_ =	strace s3  }
0x97: {  	_ =	strace $0x8FFFFFFF  }
0x98: {  	s19 =	sld [smem:$0x3FDB];
	_ =	sdelay $0x1  }
0x99: {  	s4 =	simm.s32 $_scs_section_size  }
0x9a: {  	s5 =	simm.s32 $_size__tile_overlayer_lowered;
	s6 =	simm.s32 $_tile_overlayer_lowered  }
0x9b: {  	s22 =	simm.s32 $0x1BFF;
	s21 =	sshll.u32 s6, $0x1;
	s3 =	sadd.s32 s4, s19  }
0x9c: {  	s7 =	simm.s32 $0x0;
	s20 =	sshll.u32 s5, $0x1;
	s5 =	sadd.s32 s21, s3  }
0x9d: {  	[timem:s7], [sflag:s22] =	dma.local [hbm:s5], s20  }
0x9e: {  	_ =	swait.ge [sflag:s22], s20  }
0x9f: {  	s4 =	ssub.s32 $0x0, s20;
	[sflag:s22] =	ssyncset.done $0x0  }
0xa0: {  	[sflag:s22] =	ssyncadd.s32 s4;
	_ =	sdelay $0x1  }
0xa1: {  	s23 =	simm.s32 $0x1B8B  }
0xa2: {  	_ =	swait.ge [sflag:s23], $0x1  }
0xa3: {  	[sflag:s23] =	ssyncset.done $0x0  }
0xa4: {  	s25 =	simm.s32 $0x1B8E;
	s24 =	sld [smem:$0x3FFE];
	[sflag:s23] =	ssyncadd.s32 $0xFFFFFFFF  }
0xa5: {  	s26 =	simm.s32 $execute0_lowered;
	[smem:$0x3FD2] =	sst s25  }
0xa6: {  	s5 =	sshll.u32 s26, $0x1;
	_ =	strace $0x80000046;
	[dreg:$0x1] =	wrdreg $0xFFFFFFFF  }
0xa7: {  	s28 =	simm.s32 $_size_execute0_lowered;
	s3 =	sadd.s32 s3, s5;
	[dreg:$0x0] =	wrdreg $0x0  }
0xa8: {  	s5 =	sshll.u32 s28, $0x1;
	[dreg:$0x2] =	wrdreg s3  }
0xa9: {  	[dreg:$0x3] =	wrdreg s5  }
0xaa: {  	[dreg:$0x4] =	wrdreg $0xC0  }
0xab: {  	_ =	task [dreg:s7], $0x5FFFF  }
0xac: {  	[dreg:$0x1] =	wrdreg $0xFFFFFFFF  }
0xad: {  	[dreg:$0x0] =	wrdreg $0x60  }
0xae: {  	[dreg:$0x2] =	wrdreg s24  }
0xaf: {  	[dreg:$0x3] =	wrdreg s2  }
0xb0: {  	[dreg:$0x4] =	wrdreg $0x9  }
0xb1: {  	_ =	task.clear_ibuf [dreg:s7], $0x5FFFF;
	_ =	strace $0x90000046  }
0xb2: {  	s29 =	simm.s32 $0x9;
	_ =	strace $0x80000048  }
0xb3: {  	_ =	swait.ge [sflag:s29], $0x1  }
0xb4: {  	[sflag:s29] =	ssyncadd.s32 $0xFFFFFFFF  }
0xb5: {  	_ =	strace $0x90000048  }
0xb6: {  	_ =	sfence  }
0xb7: {  	s30 =	sld [smem:$0x0];
	_ =	sdelay $0x2  }
0xb8: {  	s31 =	sshll.u32 s1, $0xD;
	s1 =	sshrl.u32 s1, $0x2  }
0xb9: {  	s3 =	sand.u32 $0x4000, s31;
	s1 =	sadd.s32 s1, s30  }
0xba: {  	s0 =	sor.u32 s3, s0;
	s1 =	sshll.u32 s1, $0x11  }
0xbb: {  	s0 =	sor.u32 s1, s0  }
0xbc: {  	s0 =	sadd.s32 $0x8F2B, s0  }
0xbd: {  	[sflag:s0] =	ssyncadd.remote.s32 $0x1  }
0xbe: {  	_ =	sfence.sel $0xFFFF  }
0xbf: {  	[dreg:$0x0] =	wrdreg $0xFFFFFFFF;
	(pc) =	sbr.abs _section_cstart, $3  }
0xc0: {  	[dreg:$0x1] =	wrdreg $0xFFFFFFFF  }
0xc1: {  	_ =	task.clear_ibuf [dreg:s7], $0x2FFFF;
	_ =	strace $0x9FFFFFFF  }
0xc2: {  	(tm) =	ssettm $0x7FFFFFFF  }
0xc3: {  	_ =	shalt  }
tec
execute0_lowered:
.L_overlay_start_1:
0x0: {  	(tag) =	ssettag $0x1  }
0x1: {  	s0 =	srdreg.scid;
	s1 =	stileid.u32  }
0x2: {  	s3 =	rddreg [dreg:$0x0];
	s31 =	simm.s32 $0x7;
	s0 =	sand.u32 $0x1, s0  }
0x3: {  	s1 =	sshll.u32 s1, $0x1;
	s5 =	sadd.s32 $0x1E00, s3;
	s6 =	sadd.s32 $0x8200, s3  }
0x4: {  	s28 =	sadd.s32 $0xE600, s3;
	s29 =	sadd.s32 $0xA00, s3;
	s2 =	sor.u32 s0, s1  }
0x5: {  	s1 =	simm.s32 $0x0;
	s0 =	ssub.s32 $0x2, s0;
	s4 =	smul.u32 $0x1900, s2  }
0x6: {  	s3 =	simm.s32 $0xC80;
	[smem:$0x7FF] =	sst s1;
	s7 =	sshrl.u32 s0, $0x1  }
0x7: {  	s2 =	smul.u32 $0xC800, s2;
	s0 =	ssub.s32 s0, s7;
	s8 =	sshrl.u32 s4, $0x3  }
0x8: {  	s7 =	sadd.s32 $0x320, s4;
	s9 =	sadd.s32 $0x640, s4;
	s11 =	sadd.s32 $0xC80, s4  }
0x9: {  	s13 =	sadd.s32 $0xFA0, s4;
	s30 =	smax.u32 s0, $0x1;
	s16 =	sadd.s32 s5, s8  }
0xa: {  	s8 =	sadd.s32 s6, s8;
	s17 =	sshrl.u32 s7, $0x3;
	[dreg:$0x3] =	wrdreg s16  }
0xb: {  	s0 =	simm.s32 $0x12C0;
	[dreg:$0x4] =	wrdreg s8;
	s10 =	sadd.s32 s5, s17  }
0xc: {  	s18 =	sshrl.u32 s9, $0x3;
	s8 =	sadd.s32 s6, s17;
	[dreg:$0x5] =	wrdreg s10  }
0xd: {  	s21 =	sshrl.u32 s11, $0x3;
	s19 =	sadd.s32 s5, s18;
	[dreg:$0x6] =	wrdreg s8  }
0xe: {  	s23 =	sshrl.u32 s13, $0x3;
	s22 =	sadd.s32 s5, s21;
	[dreg:$0x7] =	wrdreg s19  }
0xf: {  	s24 =	sadd.s32 s5, s23;
	s10 =	sadd.s32 $0x960, s4;
	[dreg:$0xb] =	wrdreg s22  }
0x10: {  	s8 =	sadd.s32 s6, s18;
	[dreg:$0xd] =	wrdreg s24;
	s24 =	sshll.u32 s13, $0x3  }
0x11: {  	[dreg:$0x8] =	wrdreg s8;
	s20 =	sshrl.u32 s10, $0x3;
	s22 =	sshll.u32 s10, $0x3  }
0x12: {  	s10 =	simm.s32 $0x6;
	s12 =	sadd.s32 s5, s20;
	s8 =	sadd.s32 s6, s20  }
0x13: {  	s20 =	sshll.u32 s7, $0x3;
	s7 =	simm.s32 $0xFA0;
	[dreg:$0x9] =	wrdreg s12  }
0x14: {  	[dreg:$0xa] =	wrdreg s8;
	s12 =	sadd.s32 s6, s21;
	s8 =	sadd.s32 s6, s23  }
0x15: {  	s21 =	sshll.u32 s9, $0x3;
	s23 =	sshll.u32 s11, $0x3;
	s9 =	simm.s32 $0x4  }
0x16: {  	s11 =	simm.s32 $0x0;
	[dreg:$0xc] =	wrdreg s12;
	s12 =	sadd.s32 $0x12C0, s4  }
0x17: {  	[dreg:$0xe] =	wrdreg s8;
	s4 =	sadd.s32 $0x15E0, s4;
	s25 =	sshrl.u32 s12, $0x3  }
0x18: {  	s8 =	simm.s32 $0x5;
	s26 =	sshrl.u32 s4, $0x3;
	s14 =	sadd.s32 s5, s25  }
0x19: {  	s15 =	sadd.s32 s6, s25;
	s16 =	sadd.s32 s5, s26;
	s17 =	sadd.s32 s6, s26  }
0x1a: {  	s25 =	sshll.u32 s12, $0x3;
	s26 =	sshll.u32 s4, $0x3;
	[dreg:$0xf] =	wrdreg s14  }
0x1b: {  	s4 =	simm.s32 $0xDAC0;
	s5 =	simm.s32 $0x3;
	s14 =	rddreg [dreg:$0x1]  }
0x1c: {  	s6 =	simm.s32 $0x2;
	s18 =	sadd.s32 s14, s2;
	s19 =	sadd.s32 s14, s20  }
0x1d: {  	s20 =	sadd.s32 s14, s21;
	s21 =	sadd.s32 s14, s22;
	s23 =	sadd.s32 s14, s23  }
0x1e: {  	s24 =	sadd.s32 s14, s24;
	s25 =	sadd.s32 s14, s25;
	s26 =	sadd.s32 s14, s26  }
0x1f: {  	v0 =	vlaneseq.u32;
	_ =	strace $0x80000047;
	s22 =	simm.s32 $0x320;
	s2 =	simm.s32 $0x1  }
.LBB2_1:
0x20: {  	s12 =	rddreg [dreg:$0x3]  }
0x21: {  	[tilespmem:s1], [sflag:$0x7] =	stream.linear.gather [hbm4b:s12+s1], $0x320, $0x38;
	[tilespmem:$0x1A2C0] =	vst v63  }
0x22: {  	_ =	swait.ge [sflag:s31], $0x320  }
0x23: {  	[sflag:s31] =	ssyncset.done $0x0  }
0x24: {  	s14 =	simm.s32 $0x640;
	s13 =	rddreg [dreg:$0x4];
	[sflag:s31] =	ssyncadd.s32 $0xFFFFFCE0  }
0x25: {  	[tilespmem:s14], [sflag:$0x7] =	stream.linear.gather [hbm4b:s13+s1], $0x320, $0x38;
	[tilespmem:$0x1A2C0] =	vst v63  }
0x26: {  	_ =	swait.ge [sflag:s31], $0x320  }
0x27: {  	[sflag:s31] =	ssyncset.done $0x0  }
0x28: {  	[sflag:s31] =	ssyncadd.s32 $0xFFFFFCE0  }
0x29: {  	v2 =	vor.u32 s1, v0;
	v1 =	vld [tilespmem:s14+$0x0]  }
0x2a: {  	v3 =	vmulhi.u32 $0x51EB851F, v2;
	_ =	sdelay $0x1  }
0x2b: {  	v3 =	vshrl.u32 v3, $0x6  }
0x2c: {  	v3 =	vmul.u32 $0xC8, v3  }
0x2d: {  	v1 =	vmul.u32 $0xC8, v1  }
0x2e: {  	v2 =	vsub.s32 v2, v3  }
0x2f: {  	v1 =	vadd.s32 v2, v1  }
0x30: {  	s13 =	simm.s32 $0x650;
	s14 =	simm.s32 $0x10;
	[tilespmem:s3+$0x0] =	vst v1  }
0x31: {  	s12 =	simm.s32 $0xC80;
	v1 =	vor.u32 s14, v0;
	s14 =	simm.s32 $0x20;
	v2 =	vld [tilespmem:s13+$0x0]  }
.LBB2_2:
0x32: {  	p0 =	sne.s32 s14, $0x310;
	v3 =	vmulhi.u32 $0x51EB851F, v1;
	_ =	sdelay $0x1  }
0x33: {  	v3 =	vshrl.u32 v3, $0x6  }
0x34: {  	v3 =	vmul.u32 $0xC8, v3  }
.Ltmp0:
0x35: {  	v2 =	vmul.u32 $0xC8, v2;
	(pc) =	sbr.rel @p0 .LBB2_2-.Ltmp0, $4  }
0x36: {  	v1 =	vsub.s32 v1, v3  }
0x37: {  	s12 =	sadd.s32 $0x10, s12;
	v1 =	vadd.s32 v1, v2  }
0x38: {  	s13 =	sadd.s32 $0x10, s13;
	[tilespmem:s12+$0x0] =	vst v1  }
0x39: {  	v1 =	vor.u32 s14, v0;
	s14 =	sadd.s32 $0x10, s14;
	v2 =	vld [tilespmem:s13+$0x0]  }
0x3a: {  	v3 =	vmulhi.u32 $0x51EB851F, v1;
	_ =	sdelay $0x1  }
0x3b: {  	v3 =	vshrl.u32 v3, $0x6  }
0x3c: {  	v3 =	vmul.u32 $0xC8, v3  }
0x3d: {  	v2 =	vmul.u32 $0xC8, v2  }
0x3e: {  	v1 =	vsub.s32 v1, v3  }
0x3f: {  	s12 =	sadd.s32 $0x10, s12;
	v1 =	vadd.s32 v1, v2  }
0x40: {  	[tilespmem:s12+$0x0] =	vst v1;
	s12 =	simm.s32 $0x0  }
0x41: {  	[tilespmem:s0], [sflag:$0x1] =	stream.indirect.gather [hbm4b:s28+s22], $0x40, s12, s22, $0xb8;
	[tilespmem:$0x1A2C0] =	vst v63  }
0x42: {  	_ =	swait.ge [sflag:s2], $0xC800  }
0x43: {  	[sflag:s2] =	ssyncset.done $0x0  }
0x44: {  	[sflag:s2] =	ssyncadd.s32 $0xFFFF3800  }
0x45: {  	[tilespmem:s0], [sflag:$0x3] =	stream.indirect.gather.add.f32 [hbm:s29], $0x40, s3, s22, $0xb8;
	[tilespmem:$0x1A2C0] =	vst v63  }
0x46: {  	s13 =	rddreg [dreg:$0x5]  }
0x47: {  	[tilespmem:s22], [sflag:$0x7] =	stream.linear.gather [hbm4b:s13+s12], $0x320, $0x38;
	[tilespmem:$0x1A2C0] =	vst v63  }
0x48: {  	_ =	swait.ge [sflag:s31], $0x320  }
0x49: {  	[sflag:s31] =	ssyncset.done $0x0  }
0x4a: {  	s13 =	simm.s32 $0x960;
	s14 =	rddreg [dreg:$0x6];
	[sflag:s31] =	ssyncadd.s32 $0xFFFFFCE0  }
0x4b: {  	[tilespmem:s13], [sflag:$0x7] =	stream.linear.gather [hbm4b:s14+s12], $0x320, $0x38;
	[tilespmem:$0x1A2C0] =	vst v63  }
0x4c: {  	_ =	swait.ge [sflag:s31], $0x320  }
0x4d: {  	[sflag:s31] =	ssyncset.done $0x0  }
0x4e: {  	[sflag:s31] =	ssyncadd.s32 $0xFFFFFCE0  }
0x4f: {  	v2 =	vor.u32 s12, v0;
	v1 =	vld [tilespmem:s13+$0x0]  }
0x50: {  	v3 =	vmulhi.u32 $0x51EB851F, v2;
	_ =	sdelay $0x1  }
0x51: {  	v3 =	vshrl.u32 v3, $0x6  }
0x52: {  	v3 =	vmul.u32 $0xC8, v3  }
0x53: {  	v1 =	vmul.u32 $0xC8, v1  }
0x54: {  	v2 =	vsub.s32 v2, v3  }
0x55: {  	s12 =	simm.s32 $0xFA0;
	v1 =	vadd.s32 v2, v1  }
0x56: {  	s14 =	simm.s32 $0x10;
	s13 =	simm.s32 $0x970;
	[tilespmem:s12+$0x0] =	vst v1  }
0x57: {  	v1 =	vor.u32 s14, v0;
	s14 =	simm.s32 $0x20;
	v2 =	vld [tilespmem:s13+$0x0]  }
.LBB2_4:
0x58: {  	p0 =	sne.s32 s14, $0x310;
	v3 =	vmulhi.u32 $0x51EB851F, v1;
	_ =	sdelay $0x1  }
0x59: {  	v3 =	vshrl.u32 v3, $0x6  }
0x5a: {  	v3 =	vmul.u32 $0xC8, v3  }
.Ltmp1:
0x5b: {  	v2 =	vmul.u32 $0xC8, v2;
	(pc) =	sbr.rel @p0 .LBB2_4-.Ltmp1, $4  }
0x5c: {  	v1 =	vsub.s32 v1, v3  }
0x5d: {  	s12 =	sadd.s32 $0x10, s12;
	v1 =	vadd.s32 v1, v2  }
0x5e: {  	s13 =	sadd.s32 $0x10, s13;
	[tilespmem:s12+$0x0] =	vst v1  }
0x5f: {  	v1 =	vor.u32 s14, v0;
	s14 =	sadd.s32 $0x10, s14;
	v2 =	vld [tilespmem:s13+$0x0]  }
0x60: {  	v3 =	vmulhi.u32 $0x51EB851F, v1;
	_ =	sdelay $0x1  }
0x61: {  	v3 =	vshrl.u32 v3, $0x6  }
0x62: {  	v3 =	vmul.u32 $0xC8, v3  }
0x63: {  	v2 =	vmul.u32 $0xC8, v2  }
0x64: {  	v1 =	vsub.s32 v1, v3  }
0x65: {  	s12 =	sadd.s32 $0x10, s12;
	v1 =	vadd.s32 v1, v2  }
0x66: {  	[tilespmem:s12+$0x0] =	vst v1  }
0x67: {  	[tilespmem:s4], [sflag:$0x2] =	stream.indirect.gather [hbm4b:s28+s22], $0x40, s22, s22, $0xb8;
	[tilespmem:$0x1A2C0] =	vst v63  }
0x68: {  	_ =	swait.ge [sflag:s5], $0xC800  }
0x69: {  	[sflag:s5] =	ssyncset.done $0x0  }
0x6a: {  	s12 =	simm.s32 $0x0;
	[sflag:s5] =	ssyncadd.s32 $0xFFFF3800  }
0x6b: {  	[hbm4b:s18+s12] =	stream.linear.scatter [tilespmem:s0], [sflag:$0x5], $0xC800, $0x38;
	[tilespmem:$0x1A2C0] =	vst v63  }
0x6c: {  	_ =	swait.ge [sflag:s6], $0xC800  }
0x6d: {  	[sflag:s6] =	ssyncset.done $0x0  }
0x6e: {  	[sflag:s6] =	ssyncadd.s32 $0xFFFF3800  }
0x6f: {  	[tilespmem:s4], [sflag:$0x4] =	stream.indirect.gather.add.f32 [hbm:s29], $0x40, s7, s22, $0xb8;
	[tilespmem:$0x1A2C0] =	vst v63  }
0x70: {  	_ =	swait.ge [sflag:s8], $0xC800  }
0x71: {  	[sflag:s8] =	ssyncset.done $0x0  }
0x72: {  	s13 =	rddreg [dreg:$0x7];
	[sflag:s8] =	ssyncadd.s32 $0xFFFF3800  }
0x73: {  	[tilespmem:s12], [sflag:$0x7] =	stream.linear.gather [hbm4b:s13+s12], $0x320, $0x38;
	[tilespmem:$0x1A2C0] =	vst v63  }
0x74: {  	_ =	swait.ge [sflag:s31], $0x320  }
0x75: {  	[sflag:s31] =	ssyncset.done $0x0  }
0x76: {  	s13 =	simm.s32 $0x640;
	s14 =	rddreg [dreg:$0x8];
	[sflag:s31] =	ssyncadd.s32 $0xFFFFFCE0  }
0x77: {  	[tilespmem:s13], [sflag:$0x7] =	stream.linear.gather [hbm4b:s14+s12], $0x320, $0x38;
	[tilespmem:$0x1A2C0] =	vst v63  }
0x78: {  	_ =	swait.ge [sflag:s31], $0x320  }
0x79: {  	[sflag:s31] =	ssyncset.done $0x0  }
0x7a: {  	[sflag:s31] =	ssyncadd.s32 $0xFFFFFCE0  }
0x7b: {  	v2 =	vor.u32 s12, v0;
	v1 =	vld [tilespmem:s13+$0x0]  }
0x7c: {  	v3 =	vmulhi.u32 $0x51EB851F, v2;
	_ =	sdelay $0x1  }
0x7d: {  	v3 =	vshrl.u32 v3, $0x6  }
0x7e: {  	v3 =	vmul.u32 $0xC8, v3  }
0x7f: {  	v1 =	vmul.u32 $0xC8, v1  }
0x80: {  	v2 =	vsub.s32 v2, v3  }
0x81: {  	s12 =	simm.s32 $0xC80;
	v1 =	vadd.s32 v2, v1  }
0x82: {  	s14 =	simm.s32 $0x10;
	s13 =	simm.s32 $0x650;
	[tilespmem:s12+$0x0] =	vst v1  }
0x83: {  	v1 =	vor.u32 s14, v0;
	s14 =	simm.s32 $0x20;
	v2 =	vld [tilespmem:s13+$0x0]  }
.LBB2_6:
0x84: {  	p0 =	sne.s32 s14, $0x310;
	v3 =	vmulhi.u32 $0x51EB851F, v1;
	_ =	sdelay $0x1  }
0x85: {  	v3 =	vshrl.u32 v3, $0x6  }
0x86: {  	v3 =	vmul.u32 $0xC8, v3  }
.Ltmp2:
0x87: {  	v2 =	vmul.u32 $0xC8, v2;
	(pc) =	sbr.rel @p0 .LBB2_6-.Ltmp2, $4  }
0x88: {  	v1 =	vsub.s32 v1, v3  }
0x89: {  	s12 =	sadd.s32 $0x10, s12;
	v1 =	vadd.s32 v1, v2  }
0x8a: {  	s13 =	sadd.s32 $0x10, s13;
	[tilespmem:s12+$0x0] =	vst v1  }
0x8b: {  	v1 =	vor.u32 s14, v0;
	s14 =	sadd.s32 $0x10, s14;
	v2 =	vld [tilespmem:s13+$0x0]  }
0x8c: {  	v3 =	vmulhi.u32 $0x51EB851F, v1;
	_ =	sdelay $0x1  }
0x8d: {  	v3 =	vshrl.u32 v3, $0x6  }
0x8e: {  	v3 =	vmul.u32 $0xC8, v3  }
0x8f: {  	v2 =	vmul.u32 $0xC8, v2  }
0x90: {  	v1 =	vsub.s32 v1, v3  }
0x91: {  	s12 =	sadd.s32 $0x10, s12;
	v1 =	vadd.s32 v1, v2  }
0x92: {  	[tilespmem:s12+$0x0] =	vst v1;
	s12 =	simm.s32 $0x0  }
0x93: {  	[tilespmem:s0], [sflag:$0x1] =	stream.indirect.gather [hbm4b:s28+s22], $0x40, s12, s22, $0xb8;
	[tilespmem:$0x1A2C0] =	vst v63  }
0x94: {  	_ =	swait.ge [sflag:s9], $0xC800  }
0x95: {  	[sflag:s9] =	ssyncset.done $0x0  }
0x96: {  	[sflag:s9] =	ssyncadd.s32 $0xFFFF3800  }
0x97: {  	[hbm4b:s19+s12] =	stream.linear.scatter [tilespmem:s4], [sflag:$0x6], $0xC800, $0x38;
	[tilespmem:$0x1A2C0] =	vst v63  }
0x98: {  	_ =	swait.ge [sflag:s2], $0xC800  }
0x99: {  	[sflag:s2] =	ssyncset.done $0x0  }
0x9a: {  	[sflag:s2] =	ssyncadd.s32 $0xFFFF3800  }
0x9b: {  	[tilespmem:s0], [sflag:$0x3] =	stream.indirect.gather.add.f32 [hbm:s29], $0x40, s3, s22, $0xb8;
	[tilespmem:$0x1A2C0] =	vst v63  }
0x9c: {  	_ =	swait.ge [sflag:s10], $0xC800  }
0x9d: {  	[sflag:s10] =	ssyncset.done $0x0  }
0x9e: {  	s13 =	rddreg [dreg:$0x9];
	[sflag:s10] =	ssyncadd.s32 $0xFFFF3800  }
0x9f: {  	[tilespmem:s22], [sflag:$0x7] =	stream.linear.gather [hbm4b:s13+s12], $0x320, $0x38;
	[tilespmem:$0x1A2C0] =	vst v63  }
0xa0: {  	_ =	swait.ge [sflag:s31], $0x320  }
0xa1: {  	[sflag:s31] =	ssyncset.done $0x0  }
0xa2: {  	s13 =	simm.s32 $0x960;
	s14 =	rddreg [dreg:$0xa];
	[sflag:s31] =	ssyncadd.s32 $0xFFFFFCE0  }
0xa3: {  	[tilespmem:s13], [sflag:$0x7] =	stream.linear.gather [hbm4b:s14+s12], $0x320, $0x38;
	[tilespmem:$0x1A2C0] =	vst v63  }
0xa4: {  	_ =	swait.ge [sflag:s31], $0x320  }
0xa5: {  	[sflag:s31] =	ssyncset.done $0x0  }
0xa6: {  	[sflag:s31] =	ssyncadd.s32 $0xFFFFFCE0  }
0xa7: {  	v2 =	vor.u32 s12, v0;
	v1 =	vld [tilespmem:s13+$0x0]  }
0xa8: {  	v3 =	vmulhi.u32 $0x51EB851F, v2;
	_ =	sdelay $0x1  }
0xa9: {  	v3 =	vshrl.u32 v3, $0x6  }
0xaa: {  	v3 =	vmul.u32 $0xC8, v3  }
0xab: {  	v1 =	vmul.u32 $0xC8, v1  }
0xac: {  	v2 =	vsub.s32 v2, v3  }
0xad: {  	s12 =	simm.s32 $0xFA0;
	v1 =	vadd.s32 v2, v1  }
0xae: {  	s14 =	simm.s32 $0x10;
	s13 =	simm.s32 $0x970;
	[tilespmem:s12+$0x0] =	vst v1  }
0xaf: {  	v1 =	vor.u32 s14, v0;
	s14 =	simm.s32 $0x20;
	v2 =	vld [tilespmem:s13+$0x0]  }
.LBB2_8:
0xb0: {  	p0 =	sne.s32 s14, $0x310;
	v3 =	vmulhi.u32 $0x51EB851F, v1;
	_ =	sdelay $0x1  }
0xb1: {  	v3 =	vshrl.u32 v3, $0x6  }
0xb2: {  	v3 =	vmul.u32 $0xC8, v3  }
.Ltmp3:
0xb3: {  	v2 =	vmul.u32 $0xC8, v2;
	(pc) =	sbr.rel @p0 .LBB2_8-.Ltmp3, $4  }
0xb4: {  	v1 =	vsub.s32 v1, v3  }
0xb5: {  	s12 =	sadd.s32 $0x10, s12;
	v1 =	vadd.s32 v1, v2  }
0xb6: {  	s13 =	sadd.s32 $0x10, s13;
	[tilespmem:s12+$0x0] =	vst v1  }
0xb7: {  	v1 =	vor.u32 s14, v0;
	s14 =	sadd.s32 $0x10, s14;
	v2 =	vld [tilespmem:s13+$0x0]  }
0xb8: {  	v3 =	vmulhi.u32 $0x51EB851F, v1;
	_ =	sdelay $0x1  }
0xb9: {  	v3 =	vshrl.u32 v3, $0x6  }
0xba: {  	v3 =	vmul.u32 $0xC8, v3  }
0xbb: {  	v2 =	vmul.u32 $0xC8, v2  }
0xbc: {  	v1 =	vsub.s32 v1, v3  }
0xbd: {  	s12 =	sadd.s32 $0x10, s12;
	v1 =	vadd.s32 v1, v2  }
0xbe: {  	[tilespmem:s12+$0x0] =	vst v1  }
0xbf: {  	[tilespmem:s4], [sflag:$0x2] =	stream.indirect.gather [hbm4b:s28+s22], $0x40, s22, s22, $0xb8;
	[tilespmem:$0x1A2C0] =	vst v63  }
0xc0: {  	_ =	swait.ge [sflag:s5], $0xC800  }
0xc1: {  	[sflag:s5] =	ssyncset.done $0x0  }
0xc2: {  	s12 =	simm.s32 $0x0;
	[sflag:s5] =	ssyncadd.s32 $0xFFFF3800  }
0xc3: {  	[hbm4b:s20+s12] =	stream.linear.scatter [tilespmem:s0], [sflag:$0x5], $0xC800, $0x38;
	[tilespmem:$0x1A2C0] =	vst v63  }
0xc4: {  	_ =	swait.ge [sflag:s6], $0xC800  }
0xc5: {  	[sflag:s6] =	ssyncset.done $0x0  }
0xc6: {  	[sflag:s6] =	ssyncadd.s32 $0xFFFF3800  }
0xc7: {  	[tilespmem:s4], [sflag:$0x4] =	stream.indirect.gather.add.f32 [hbm:s29], $0x40, s7, s22, $0xb8;
	[tilespmem:$0x1A2C0] =	vst v63  }
0xc8: {  	_ =	swait.ge [sflag:s8], $0xC800  }
0xc9: {  	[sflag:s8] =	ssyncset.done $0x0  }
0xca: {  	s13 =	rddreg [dreg:$0xb];
	[sflag:s8] =	ssyncadd.s32 $0xFFFF3800  }
0xcb: {  	[tilespmem:s12], [sflag:$0x7] =	stream.linear.gather [hbm4b:s13+s12], $0x320, $0x38;
	[tilespmem:$0x1A2C0] =	vst v63  }
0xcc: {  	_ =	swait.ge [sflag:s31], $0x320  }
0xcd: {  	[sflag:s31] =	ssyncset.done $0x0  }
0xce: {  	s13 =	simm.s32 $0x640;
	s14 =	rddreg [dreg:$0xc];
	[sflag:s31] =	ssyncadd.s32 $0xFFFFFCE0  }
0xcf: {  	[tilespmem:s13], [sflag:$0x7] =	stream.linear.gather [hbm4b:s14+s12], $0x320, $0x38;
	[tilespmem:$0x1A2C0] =	vst v63  }
0xd0: {  	_ =	swait.ge [sflag:s31], $0x320  }
0xd1: {  	[sflag:s31] =	ssyncset.done $0x0  }
0xd2: {  	[sflag:s31] =	ssyncadd.s32 $0xFFFFFCE0  }
0xd3: {  	v2 =	vor.u32 s12, v0;
	v1 =	vld [tilespmem:s13+$0x0]  }
0xd4: {  	v3 =	vmulhi.u32 $0x51EB851F, v2;
	_ =	sdelay $0x1  }
0xd5: {  	v3 =	vshrl.u32 v3, $0x6  }
0xd6: {  	v3 =	vmul.u32 $0xC8, v3  }
0xd7: {  	v1 =	vmul.u32 $0xC8, v1  }
0xd8: {  	v2 =	vsub.s32 v2, v3  }
0xd9: {  	s12 =	simm.s32 $0xC80;
	v1 =	vadd.s32 v2, v1  }
0xda: {  	s14 =	simm.s32 $0x10;
	s13 =	simm.s32 $0x650;
	[tilespmem:s12+$0x0] =	vst v1  }
0xdb: {  	v1 =	vor.u32 s14, v0;
	s14 =	simm.s32 $0x20;
	v2 =	vld [tilespmem:s13+$0x0]  }
.LBB2_10:
0xdc: {  	p0 =	sne.s32 s14, $0x310;
	v3 =	vmulhi.u32 $0x51EB851F, v1;
	_ =	sdelay $0x1  }
0xdd: {  	v3 =	vshrl.u32 v3, $0x6  }
0xde: {  	v3 =	vmul.u32 $0xC8, v3  }
.Ltmp4:
0xdf: {  	v2 =	vmul.u32 $0xC8, v2;
	(pc) =	sbr.rel @p0 .LBB2_10-.Ltmp4, $4  }
0xe0: {  	v1 =	vsub.s32 v1, v3  }
0xe1: {  	s12 =	sadd.s32 $0x10, s12;
	v1 =	vadd.s32 v1, v2  }
0xe2: {  	s13 =	sadd.s32 $0x10, s13;
	[tilespmem:s12+$0x0] =	vst v1  }
0xe3: {  	v1 =	vor.u32 s14, v0;
	s14 =	sadd.s32 $0x10, s14;
	v2 =	vld [tilespmem:s13+$0x0]  }
0xe4: {  	v3 =	vmulhi.u32 $0x51EB851F, v1;
	_ =	sdelay $0x1  }
0xe5: {  	v3 =	vshrl.u32 v3, $0x6  }
0xe6: {  	v3 =	vmul.u32 $0xC8, v3  }
0xe7: {  	v2 =	vmul.u32 $0xC8, v2  }
0xe8: {  	v1 =	vsub.s32 v1, v3  }
0xe9: {  	s12 =	sadd.s32 $0x10, s12;
	v1 =	vadd.s32 v1, v2  }
0xea: {  	[tilespmem:s12+$0x0] =	vst v1;
	s12 =	simm.s32 $0x0  }
0xeb: {  	[tilespmem:s0], [sflag:$0x1] =	stream.indirect.gather [hbm4b:s28+s22], $0x40, s12, s22, $0xb8;
	[tilespmem:$0x1A2C0] =	vst v63  }
0xec: {  	_ =	swait.ge [sflag:s9], $0xC800  }
0xed: {  	[sflag:s9] =	ssyncset.done $0x0  }
0xee: {  	[sflag:s9] =	ssyncadd.s32 $0xFFFF3800  }
0xef: {  	[hbm4b:s21+s12] =	stream.linear.scatter [tilespmem:s4], [sflag:$0x6], $0xC800, $0x38;
	[tilespmem:$0x1A2C0] =	vst v63  }
0xf0: {  	_ =	swait.ge [sflag:s2], $0xC800  }
0xf1: {  	[sflag:s2] =	ssyncset.done $0x0  }
0xf2: {  	[sflag:s2] =	ssyncadd.s32 $0xFFFF3800  }
0xf3: {  	[tilespmem:s0], [sflag:$0x3] =	stream.indirect.gather.add.f32 [hbm:s29], $0x40, s3, s22, $0xb8;
	[tilespmem:$0x1A2C0] =	vst v63  }
0xf4: {  	_ =	swait.ge [sflag:s10], $0xC800  }
0xf5: {  	[sflag:s10] =	ssyncset.done $0x0  }
0xf6: {  	s13 =	rddreg [dreg:$0xd];
	[sflag:s10] =	ssyncadd.s32 $0xFFFF3800  }
0xf7: {  	[tilespmem:s22], [sflag:$0x7] =	stream.linear.gather [hbm4b:s13+s12], $0x320, $0x38;
	[tilespmem:$0x1A2C0] =	vst v63  }
0xf8: {  	_ =	swait.ge [sflag:s31], $0x320  }
0xf9: {  	[sflag:s31] =	ssyncset.done $0x0  }
0xfa: {  	s13 =	simm.s32 $0x960;
	s14 =	rddreg [dreg:$0xe];
	[sflag:s31] =	ssyncadd.s32 $0xFFFFFCE0  }
0xfb: {  	[tilespmem:s13], [sflag:$0x7] =	stream.linear.gather [hbm4b:s14+s12], $0x320, $0x38;
	[tilespmem:$0x1A2C0] =	vst v63  }
0xfc: {  	_ =	swait.ge [sflag:s31], $0x320  }
0xfd: {  	[sflag:s31] =	ssyncset.done $0x0  }
0xfe: {  	[sflag:s31] =	ssyncadd.s32 $0xFFFFFCE0  }
0xff: {  	v2 =	vor.u32 s12, v0;
	v1 =	vld [tilespmem:s13+$0x0]  }
0x100: {  	v3 =	vmulhi.u32 $0x51EB851F, v2;
	_ =	sdelay $0x1  }
0x101: {  	v3 =	vshrl.u32 v3, $0x6  }
0x102: {  	v3 =	vmul.u32 $0xC8, v3  }
0x103: {  	v1 =	vmul.u32 $0xC8, v1  }
0x104: {  	v2 =	vsub.s32 v2, v3  }
0x105: {  	s12 =	simm.s32 $0xFA0;
	v1 =	vadd.s32 v2, v1  }
0x106: {  	s14 =	simm.s32 $0x10;
	s13 =	simm.s32 $0x970;
	[tilespmem:s12+$0x0] =	vst v1  }
0x107: {  	v1 =	vor.u32 s14, v0;
	s14 =	simm.s32 $0x20;
	v2 =	vld [tilespmem:s13+$0x0]  }
.LBB2_12:
0x108: {  	p0 =	sne.s32 s14, $0x310;
	v3 =	vmulhi.u32 $0x51EB851F, v1;
	_ =	sdelay $0x1  }
0x109: {  	v3 =	vshrl.u32 v3, $0x6  }
0x10a: {  	v3 =	vmul.u32 $0xC8, v3  }
.Ltmp5:
0x10b: {  	v2 =	vmul.u32 $0xC8, v2;
	(pc) =	sbr.rel @p0 .LBB2_12-.Ltmp5, $4  }
0x10c: {  	v1 =	vsub.s32 v1, v3  }
0x10d: {  	s12 =	sadd.s32 $0x10, s12;
	v1 =	vadd.s32 v1, v2  }
0x10e: {  	s13 =	sadd.s32 $0x10, s13;
	[tilespmem:s12+$0x0] =	vst v1  }
0x10f: {  	v1 =	vor.u32 s14, v0;
	s14 =	sadd.s32 $0x10, s14;
	v2 =	vld [tilespmem:s13+$0x0]  }
0x110: {  	v3 =	vmulhi.u32 $0x51EB851F, v1;
	_ =	sdelay $0x1  }
0x111: {  	v3 =	vshrl.u32 v3, $0x6  }
0x112: {  	v3 =	vmul.u32 $0xC8, v3  }
0x113: {  	v2 =	vmul.u32 $0xC8, v2  }
0x114: {  	v1 =	vsub.s32 v1, v3  }
0x115: {  	s12 =	sadd.s32 $0x10, s12;
	v1 =	vadd.s32 v1, v2  }
0x116: {  	[tilespmem:s12+$0x0] =	vst v1  }
0x117: {  	[tilespmem:s4], [sflag:$0x2] =	stream.indirect.gather [hbm4b:s28+s22], $0x40, s22, s22, $0xb8;
	[tilespmem:$0x1A2C0] =	vst v63  }
0x118: {  	_ =	swait.ge [sflag:s5], $0xC800  }
0x119: {  	[sflag:s5] =	ssyncset.done $0x0  }
0x11a: {  	s12 =	simm.s32 $0x0;
	[sflag:s5] =	ssyncadd.s32 $0xFFFF3800  }
0x11b: {  	[hbm4b:s23+s12] =	stream.linear.scatter [tilespmem:s0], [sflag:$0x5], $0xC800, $0x38;
	[tilespmem:$0x1A2C0] =	vst v63  }
0x11c: {  	_ =	swait.ge [sflag:s6], $0xC800  }
0x11d: {  	[sflag:s6] =	ssyncset.done $0x0  }
0x11e: {  	[sflag:s6] =	ssyncadd.s32 $0xFFFF3800  }
0x11f: {  	[tilespmem:s4], [sflag:$0x4] =	stream.indirect.gather.add.f32 [hbm:s29], $0x40, s7, s22, $0xb8;
	[tilespmem:$0x1A2C0] =	vst v63  }
0x120: {  	_ =	swait.ge [sflag:s8], $0xC800  }
0x121: {  	[sflag:s8] =	ssyncset.done $0x0  }
0x122: {  	s13 =	rddreg [dreg:$0xf];
	[sflag:s8] =	ssyncadd.s32 $0xFFFF3800  }
0x123: {  	[tilespmem:s12], [sflag:$0x7] =	stream.linear.gather [hbm4b:s13+s12], $0x320, $0x38;
	[tilespmem:$0x1A2C0] =	vst v63  }
0x124: {  	_ =	swait.ge [sflag:s31], $0x320  }
0x125: {  	[sflag:s31] =	ssyncset.done $0x0  }
0x126: {  	s14 =	simm.s32 $0x640;
	[sflag:s31] =	ssyncadd.s32 $0xFFFFFCE0  }
0x127: {  	[tilespmem:s14], [sflag:$0x7] =	stream.linear.gather [hbm4b:s15+s12], $0x320, $0x38;
	[tilespmem:$0x1A2C0] =	vst v63  }
0x128: {  	_ =	swait.ge [sflag:s31], $0x320  }
0x129: {  	[sflag:s31] =	ssyncset.done $0x0  }
0x12a: {  	[sflag:s31] =	ssyncadd.s32 $0xFFFFFCE0  }
0x12b: {  	v2 =	vor.u32 s12, v0;
	v1 =	vld [tilespmem:s14+$0x0]  }
0x12c: {  	v3 =	vmulhi.u32 $0x51EB851F, v2;
	_ =	sdelay $0x1  }
0x12d: {  	v3 =	vshrl.u32 v3, $0x6  }
0x12e: {  	v3 =	vmul.u32 $0xC8, v3  }
0x12f: {  	v1 =	vmul.u32 $0xC8, v1  }
0x130: {  	v2 =	vsub.s32 v2, v3  }
0x131: {  	s12 =	simm.s32 $0xC80;
	v1 =	vadd.s32 v2, v1  }
0x132: {  	s13 =	simm.s32 $0x650;
	s14 =	simm.s32 $0x10;
	[tilespmem:s12+$0x0] =	vst v1  }
0x133: {  	v1 =	vor.u32 s14, v0;
	s14 =	simm.s32 $0x20;
	v2 =	vld [tilespmem:s13+$0x0]  }
.LBB2_14:
0x134: {  	p0 =	sne.s32 s14, $0x310;
	v3 =	vmulhi.u32 $0x51EB851F, v1;
	_ =	sdelay $0x1  }
0x135: {  	v3 =	vshrl.u32 v3, $0x6  }
0x136: {  	v3 =	vmul.u32 $0xC8, v3  }
.Ltmp6:
0x137: {  	v2 =	vmul.u32 $0xC8, v2;
	(pc) =	sbr.rel @p0 .LBB2_14-.Ltmp6, $4  }
0x138: {  	v1 =	vsub.s32 v1, v3  }
0x139: {  	s12 =	sadd.s32 $0x10, s12;
	v1 =	vadd.s32 v1, v2  }
0x13a: {  	s13 =	sadd.s32 $0x10, s13;
	[tilespmem:s12+$0x0] =	vst v1  }
0x13b: {  	v1 =	vor.u32 s14, v0;
	s14 =	sadd.s32 $0x10, s14;
	v2 =	vld [tilespmem:s13+$0x0]  }
0x13c: {  	v3 =	vmulhi.u32 $0x51EB851F, v1;
	_ =	sdelay $0x1  }
0x13d: {  	v3 =	vshrl.u32 v3, $0x6  }
0x13e: {  	v3 =	vmul.u32 $0xC8, v3  }
0x13f: {  	v2 =	vmul.u32 $0xC8, v2  }
0x140: {  	v1 =	vsub.s32 v1, v3  }
0x141: {  	s12 =	sadd.s32 $0x10, s12;
	v1 =	vadd.s32 v1, v2  }
0x142: {  	s14 =	simm.s32 $0x0;
	[tilespmem:s12+$0x0] =	vst v1  }
0x143: {  	[tilespmem:s0], [sflag:$0x1] =	stream.indirect.gather [hbm4b:s28+s22], $0x40, s14, s22, $0xb8;
	[tilespmem:$0x1A2C0] =	vst v63  }
0x144: {  	_ =	swait.ge [sflag:s9], $0xC800  }
0x145: {  	[sflag:s9] =	ssyncset.done $0x0  }
0x146: {  	[sflag:s9] =	ssyncadd.s32 $0xFFFF3800  }
0x147: {  	[hbm4b:s24+s14] =	stream.linear.scatter [tilespmem:s4], [sflag:$0x6], $0xC800, $0x38;
	[tilespmem:$0x1A2C0] =	vst v63  }
0x148: {  	_ =	swait.ge [sflag:s2], $0xC800  }
0x149: {  	[sflag:s2] =	ssyncset.done $0x0  }
0x14a: {  	[sflag:s2] =	ssyncadd.s32 $0xFFFF3800  }
0x14b: {  	[tilespmem:s0], [sflag:$0x3] =	stream.indirect.gather.add.f32 [hbm:s29], $0x40, s3, s22, $0xb8;
	[tilespmem:$0x1A2C0] =	vst v63  }
0x14c: {  	_ =	swait.ge [sflag:s10], $0xC800  }
0x14d: {  	[sflag:s10] =	ssyncset.done $0x0  }
0x14e: {  	[sflag:s10] =	ssyncadd.s32 $0xFFFF3800  }
0x14f: {  	[tilespmem:s22], [sflag:$0x7] =	stream.linear.gather [hbm4b:s16+s14], $0x320, $0x38;
	[tilespmem:$0x1A2C0] =	vst v63  }
0x150: {  	_ =	swait.ge [sflag:s31], $0x320  }
0x151: {  	[sflag:s31] =	ssyncset.done $0x0  }
0x152: {  	s13 =	simm.s32 $0x960;
	[sflag:s31] =	ssyncadd.s32 $0xFFFFFCE0  }
0x153: {  	[tilespmem:s13], [sflag:$0x7] =	stream.linear.gather [hbm4b:s17+s14], $0x320, $0x38;
	[tilespmem:$0x1A2C0] =	vst v63  }
0x154: {  	_ =	swait.ge [sflag:s31], $0x320  }
0x155: {  	[sflag:s31] =	ssyncset.done $0x0  }
0x156: {  	[sflag:s31] =	ssyncadd.s32 $0xFFFFFCE0  }
0x157: {  	v2 =	vor.u32 s14, v0;
	v1 =	vld [tilespmem:s13+$0x0]  }
0x158: {  	v3 =	vmulhi.u32 $0x51EB851F, v2;
	_ =	sdelay $0x1  }
0x159: {  	v3 =	vshrl.u32 v3, $0x6  }
0x15a: {  	v3 =	vmul.u32 $0xC8, v3  }
0x15b: {  	v1 =	vmul.u32 $0xC8, v1  }
0x15c: {  	v2 =	vsub.s32 v2, v3  }
0x15d: {  	s12 =	simm.s32 $0xFA0;
	v1 =	vadd.s32 v2, v1  }
0x15e: {  	s14 =	simm.s32 $0x10;
	s13 =	simm.s32 $0x970;
	[tilespmem:s12+$0x0] =	vst v1  }
0x15f: {  	v1 =	vor.u32 s14, v0;
	s14 =	simm.s32 $0x20;
	v2 =	vld [tilespmem:s13+$0x0]  }
.LBB2_16:
0x160: {  	p0 =	sne.s32 s14, $0x310;
	v3 =	vmulhi.u32 $0x51EB851F, v1;
	_ =	sdelay $0x1  }
0x161: {  	v3 =	vshrl.u32 v3, $0x6  }
0x162: {  	v3 =	vmul.u32 $0xC8, v3  }
.Ltmp7:
0x163: {  	v2 =	vmul.u32 $0xC8, v2;
	(pc) =	sbr.rel @p0 .LBB2_16-.Ltmp7, $4  }
0x164: {  	v1 =	vsub.s32 v1, v3  }
0x165: {  	s12 =	sadd.s32 $0x10, s12;
	v1 =	vadd.s32 v1, v2  }
0x166: {  	s13 =	sadd.s32 $0x10, s13;
	[tilespmem:s12+$0x0] =	vst v1  }
0x167: {  	v1 =	vor.u32 s14, v0;
	s14 =	sadd.s32 $0x10, s14;
	v2 =	vld [tilespmem:s13+$0x0]  }
0x168: {  	v3 =	vmulhi.u32 $0x51EB851F, v1;
	_ =	sdelay $0x1  }
0x169: {  	v3 =	vshrl.u32 v3, $0x6  }
0x16a: {  	v3 =	vmul.u32 $0xC8, v3  }
0x16b: {  	v2 =	vmul.u32 $0xC8, v2  }
0x16c: {  	v1 =	vsub.s32 v1, v3  }
0x16d: {  	s12 =	sadd.s32 $0x10, s12;
	v1 =	vadd.s32 v1, v2  }
0x16e: {  	[tilespmem:s12+$0x0] =	vst v1  }
0x16f: {  	[tilespmem:s4], [sflag:$0x2] =	stream.indirect.gather [hbm4b:s28+s22], $0x40, s22, s22, $0xb8;
	[tilespmem:$0x1A2C0] =	vst v63  }
0x170: {  	_ =	swait.ge [sflag:s5], $0xC800  }
0x171: {  	[sflag:s5] =	ssyncset.done $0x0  }
0x172: {  	[sflag:s5] =	ssyncadd.s32 $0xFFFF3800  }
0x173: {  	[hbm4b:s25+s1] =	stream.linear.scatter [tilespmem:s0], [sflag:$0x5], $0xC800, $0x38;
	[tilespmem:$0x1A2C0] =	vst v63  }
0x174: {  	_ =	swait.ge [sflag:s6], $0xC800  }
0x175: {  	[sflag:s6] =	ssyncset.done $0x0  }
0x176: {  	[sflag:s6] =	ssyncadd.s32 $0xFFFF3800  }
0x177: {  	[tilespmem:s4], [sflag:$0x4] =	stream.indirect.gather.add.f32 [hbm:s29], $0x40, s7, s22, $0xb8;
	[tilespmem:$0x1A2C0] =	vst v63  }
0x178: {  	_ =	swait.ge [sflag:s9], $0xC800  }
0x179: {  	[sflag:s9] =	ssyncset.done $0x0  }
0x17a: {  	s11 =	sadd.s32 $0x1, s11;
	[sflag:s9] =	ssyncadd.s32 $0xFFFF3800  }
0x17b: {  	[hbm4b:s26+s1] =	stream.linear.scatter [tilespmem:s4], [sflag:$0x6], $0xC800, $0x38;
	[tilespmem:$0x1A2C0] =	vst v63  }
0x17c: {  	p0 =	sne.s32 s11, s30;
	_ =	swait.ge [sflag:s8], $0xC800  }
.Ltmp8:
0x17d: {  	[sflag:s8] =	ssyncset.done $0x0;
	(pc) =	sbr.rel @p0 .LBB2_1-.Ltmp8, $4  }
0x17e: {  	[sflag:s8] =	ssyncadd.s32 $0xFFFF3800  }
0x17f: {  	_ =	swait.ge [sflag:s10], $0xC800  }
0x180: {  	[sflag:s10] =	ssyncset.done $0x0  }
0x181: {  	[sflag:s10] =	ssyncadd.s32 $0xFFFF3800  }
0x182: {  	_ =	sfence.sel $0x180000  }
0x183: {  	[bflag:$0x0] =	sbarrier.arrive $0xFFFF  }
0x184: {  	_ =	strace $0x90000047  }
0x185: {  	s0 =	stileid.u32;
	[bflag:$0x2] =	sbarrier.arrive $0xFFFF  }
0x186: {  	p0 =	sne.s32 s0, $0x0;
	s0 =	rddreg [dreg:$0x2]  }
0x187: {  	s0 =	sadd.s32 @!p0 $0x100000, s0  }
0x188: {  	[sflag:s0] =	ssyncadd.tile.s32 @!p0 $0x1;
	_ =	shalt  }
.Lfunc_end2:
_tile_overlayer_lowered:
.L_overlay_start_2:
0x189: {  	(tag) =	ssettag $0x2  }
0x18a: {  	s0 =	rddreg [dreg:$0x0];
	s2 =	stileid.u32  }
0x18b: {  	s1 =	rddreg [dreg:$0x1];
	p0 =	sne.s32 s2, $0x0  }
0x18c: {  	s3 =	rddreg [dreg:$0x2];
	[bflag:$0x3] =	sbarrier.arrive $0xFFFF;
	s2 =	simm.s32 @!p0 $0x1C07  }
0x18d: {  	[timem:s3], [sflag:s2] =	dma.local @!p0 [hbm:s0], s1  }
0x18e: {  	s0 =	simm.s32 @!p0 $0x7  }
0x18f: {  	_ =	swait.ge @!p0 [sflag:s0], s1  }
0x190: {  	s1 =	ssub.s32 @!p0 $0x0, s1;
	[sflag:s0] =	ssyncset.done @!p0 $0x0  }
0x191: {  	[sflag:s0] =	ssyncadd.s32 @!p0 s1  }
0x192: {  	[bflag:$0x3] =	sbarrier.arrive $0xFFFF  }
0x193: {  	_ =	shalt  }

// kernel: sparse-core-data-format-call.cloned.1.call-start
scs
called_computation_lowered:
.L_overlay_start_0:
0x0: {  	s2 =	sld [smem:$0x3FD9]  }
0x1: {  	s3 =	sld [smem:$0x3FFE];
	_ =	sdelay $0x1  }
0x2: {  	s1 =	srdreg.scid  }
0x3: {  	s0 =	sand.u32 $0x1, s1  }
0x4: {  	s18 =	sshll.u32 s0, $0xA;
	s2 =	sadd.s32 s3, s2  }
0x5: {  	s2 =	sadd.s32 s2, s18  }
0x6: {  	[smem:$0x3FC3] =	sst s2  }
0x7: {  	_ = 	snop  }
0x8: {  	s2 =	sld [smem:$0x3FD0];
	(tm) =	ssettm $0x1  }
0x9: {  	s19 =	sld [smem:$0x3FFB];
	_ =	sdelay $0x3  }
0xa: {  	_ =	strace s19  }
0xb: {  	s3 =	sld [smem:$0x3FFC];
	_ =	sdelay $0x3  }
0xc: {  	_ =	strace s3  }
0xd: {  	s3 =	sld [smem:$0x3FFD];
	_ =	sdelay $0x3  }
0xe: {  	_ =	strace s3  }
0xf: {  	_ =	strace $0x8FFFFFFF  }
0x10: {  	s20 =	sld [smem:$0x3FDB];
	_ =	sdelay $0x1  }
0x11: {  	s4 =	simm.s32 $_scs_section_size  }
0x12: {  	s5 =	simm.s32 $_size__tile_overlayer_lowered;
	s6 =	simm.s32 $_tile_overlayer_lowered  }
0x13: {  	s23 =	simm.s32 $0x1BFF;
	s22 =	sshll.u32 s6, $0x1;
	s3 =	sadd.s32 s4, s20  }
0x14: {  	s7 =	simm.s32 $0x0;
	s21 =	sshll.u32 s5, $0x1;
	s5 =	sadd.s32 s22, s3  }
0x15: {  	[timem:s7], [sflag:s23] =	dma.local [hbm:s5], s21  }
0x16: {  	_ =	swait.ge [sflag:s23], s21  }
0x17: {  	s4 =	ssub.s32 $0x0, s21;
	[sflag:s23] =	ssyncset.done $0x0  }
0x18: {  	[sflag:s23] =	ssyncadd.s32 s4;
	_ =	sdelay $0x1  }
0x19: {  	s24 =	simm.s32 $0x1B8B  }
0x1a: {  	_ =	swait.ge [sflag:s24], $0x1  }
0x1b: {  	[sflag:s24] =	ssyncset.done $0x0  }
0x1c: {  	s26 =	simm.s32 $0x1B8E;
	s25 =	sld [smem:$0x3FFE];
	[sflag:s24] =	ssyncadd.s32 $0xFFFFFFFF  }
0x1d: {  	s27 =	simm.s32 $execute0_lowered;
	[smem:$0x3FD2] =	sst s26  }
0x1e: {  	s5 =	sshll.u32 s27, $0x1;
	_ =	strace $0x80000049;
	[dreg:$0x1] =	wrdreg $0xFFFFFFFF  }
0x1f: {  	s28 =	simm.s32 $_size_execute0_lowered;
	s3 =	sadd.s32 s3, s5;
	[dreg:$0x0] =	wrdreg $0x0  }
0x20: {  	s5 =	sshll.u32 s28, $0x1;
	[dreg:$0x2] =	wrdreg s3  }
0x21: {  	[dreg:$0x3] =	wrdreg s5  }
0x22: {  	[dreg:$0x4] =	wrdreg $0xC0  }
0x23: {  	_ =	task [dreg:s7], $0x5FFFF  }
0x24: {  	[dreg:$0x1] =	wrdreg $0xFFFFFFFF  }
0x25: {  	[dreg:$0x0] =	wrdreg $0x60  }
0x26: {  	[dreg:$0x2] =	wrdreg s25  }
0x27: {  	[dreg:$0x3] =	wrdreg s2  }
0x28: {  	[dreg:$0x4] =	wrdreg $0x9  }
0x29: {  	_ =	task.clear_ibuf [dreg:s7], $0x5FFFF;
	_ =	strace $0x90000049  }
0x2a: {  	s29 =	simm.s32 $0x9;
	_ =	strace $0x8000004B  }
0x2b: {  	_ =	swait.ge [sflag:s29], $0x1  }
0x2c: {  	[sflag:s29] =	ssyncadd.s32 $0xFFFFFFFF  }
0x2d: {  	_ =	strace $0x9000004B  }
0x2e: {  	_ =	sfence  }
0x2f: {  	s30 =	sld [smem:$0x0];
	_ =	sdelay $0x2  }
0x30: {  	s31 =	sshll.u32 s1, $0xD;
	s1 =	sshrl.u32 s1, $0x2  }
0x31: {  	s3 =	sand.u32 $0x4000, s31;
	s1 =	sadd.s32 s1, s30  }
0x32: {  	s0 =	sor.u32 s3, s0;
	s1 =	sshll.u32 s1, $0x11  }
0x33: {  	s0 =	sor.u32 s1, s0  }
0x34: {  	s0 =	sadd.s32 $0x8F2B, s0  }
0x35: {  	[sflag:s0] =	ssyncadd.remote.s32 $0x1  }
0x36: {  	_ =	sfence.sel $0xFFFF  }
0x37: {  	[dreg:$0x0] =	wrdreg $0xFFFFFFFF;
	(pc) =	sbr.abs _section_cstart, $3  }
0x38: {  	[dreg:$0x1] =	wrdreg $0xFFFFFFFF  }
0x39: {  	_ =	task.clear_ibuf [dreg:s7], $0x2FFFF;
	_ =	strace $0x9FFFFFFF  }
0x3a: {  	(tm) =	ssettm $0x7FFFFFFF  }
0x3b: {  	_ =	shalt  }
tec
execute0_lowered:
.L_overlay_start_1:
0x0: {  	(tag) =	ssettag $0x1  }
0x1: {  	s0 =	stileid.u32;
	s6 =	rddreg [dreg:$0x0]  }
0x2: {  	s2 =	rddreg [dreg:$0x1];
	s5 =	srdreg.scid  }
0x3: {  	s31 =	simm.s32 $0x2;
	s13 =	simm.s32 $0x0;
	s1 =	sshll.u32 s0, $0x7  }
0x4: {  	s14 =	simm.s32 $0x0;
	s12 =	simm.s32 $0x0;
	s3 =	sand.u32 $0x380, s1  }
0x5: {  	s5 =	sshll.u32 s5, $0x4;
	s6 =	sadd.s32 $0xA00, s6;
	s4 =	ssub.s32 $0x400, s3  }
0x6: {  	s1 =	rddreg [dreg:$0x2];
	_ =	strace $0x8000004A;
	s7 =	sand.u32 $0x380, s4  }
0x7: {  	s5 =	sand.u32 $0x10, s5;
	p0 =	sne.s32 s7, $0x0;
	s7 =	simm.s32 $0x1  }
.Ltmp0:
0x8: {  	s8 =	sshrl.u32 s4, $0xA;
	s7 =	simm.s32 @!p0 $0x0;
	(pc) =	sbr.rel .LBB1_1-.Ltmp0, $4  }
0x9: {  	s9 =	sor.u32 s0, s5;
	s4 =	simm.s32 $0x1;
	s30 =	sadd.s32 s7, s8  }
0xa: {  	s11 =	smov.u32 s3;
	[sflag:s4] =	ssyncpa.u1 $0x0;
	s5 =	smul.u32 $0x32, s30  }
0xb: {  	[sflag:s31] =	ssyncpa.u1 $0x0;
	p0 =	por $0x0, $0x0;
	s7 =	sshrl.u32 s9, $0x3  }
0xc: {  	s9 =	simm.s32 $0x2000;
	s10 =	smov.u32 s7;
	s8 =	sor.u32 $0x1, s5  }
.LBB1_4:
0xd: {  	s17 =	sand.u32 $0x1F80, s14;
	s13 =	sshll.u32 s13, $0xD  }
0xe: {  	[tilespmem:s16+$0x810 ss:$0x81] =	vst.msk $0xffff, v2;
	s18 =	sshrl.u32 s14, $0x3;
	s31 =	sand.u32 $0x7, s14;
	s17 =	sadd.s32 s2, s17  }
0xf: {  	[tilespmem:s16+$0x1020 ss:$0x81] =	vst.msk $0xffff, v0;
	s18 =	sand.u32 $0xF, s18;
	s14 =	sshll.u32 s31, $0x12;
	s13 =	sadd.s32 s13, s17  }
0x10: {  	[tilespmem:s16+$0x0 ss:$0x81] =	vst.msk $0xffff, v1;
	s14 =	sor.u32 $0x400, s14;
	s13 =	sadd.s32 s18, s13  }
0x11: {  	[hbm4b:s13+s14] =	stream.strided.scatter [tilespmem:s15], [sflag:$0x2], $0x2000, s9, s14, $0x20;
	[tilespmem:$0x8080] =	vst v63  }
.LBB1_5:
0x12: {  	s15 =	sadd.s32 $0x4, s10  }
0x13: {  	s13 =	sadd.s32 $0x400, s11;
	s17 =	smov.u32 s11;
	p2 =	sgt.s32 s15, $0xC7  }
0x14: {  	s17 =	smov.u32 @p2 s13  }
0x15: {  	s15 =	smov.u32 @p2 s7;
	p2 =	sgt.s32 s17, $0x3FF  }
0x16: {  	s17 =	smov.u32 @p2 s3;
	p2 =	sne.s32 s12, s8  }
.Ltmp1:
0x17: {  	p1 =	slt.u32 s12, $0x2;
	(pc) =	sbr.rel @!p2 .LBB1_6-.Ltmp1, $4  }
0x18: {  	s16 =	simm.s32 @!p1 $0x2  }
0x19: {  	s14 =	smov.u32 s11;
	p0 =	por !p0, !p0;
	_ =	swait.ge @!p1 [sflag:s16], $0x2000  }
0x1a: {  	s13 =	smov.u32 s10;
	[sflag:s16] =	ssyncset.done @!p1 $0x0;
	s10 =	smov.u32 s15  }
0x1b: {  	s12 =	sadd.s32 $0x1, s12;
	[sflag:s16] =	ssyncadd.s32 @!p1 $0xFFFFE000;
	s11 =	smov.u32 s17  }
.LBB1_1:
0x1c: {  	p1 =	sge.u32 s12, s5  }
0x1d: {  	s15 =	sand.u32 @!p1 $0x1FFFFFF, s10  }
0x1e: {  	s16 =	smulhi.u32 @!p1 $0x147AE15, s15;
	_ =	sdelay $0x1  }
0x1f: {  	s16 =	smul.u32 @!p1 $0xC8, s16  }
0x20: {  	s17 =	sxor.u32 @!p1 $0xFFFFFFFF, s12;
	s18 =	smul.u32 @!p1 $0xC80, s11  }
0x21: {  	s31 =	sadd.s32 $0xFFFFFFFF, s12;
	s17 =	sshll.u32 @!p1 s17, $0xD;
	s15 =	ssub.s32 @!p1 s15, s16  }
0x22: {  	s16 =	sand.u32 @!p1 $0x2000, s17;
	s17 =	sadd.s32 @!p1 s6, s18;
	s15 =	sshll.u32 @!p1 s15, $0x4  }
0x23: {  	s18 =	simm.s32 @!p1 $0x6400;
	s15 =	sadd.s32 @!p1 s15, s17;
	s17 =	simm.s32 @!p1 $0x40  }
0x24: {  	[tilespmem:s16], [sflag:$0x1] =	stream.strided.gather @!p1 [hbm4b:s15+s17], $0x2000, s18, s17, $0x38;
	[tilespmem:$0x8080] =	vst v63  }
0x25: {  	p1 =	sge.u32 s31, s5  }
.Ltmp2:
0x26: {  	_ = 	snop;
	(pc) =	sbr.rel @p1 .LBB1_5-.Ltmp2, $1  }
0x27: {  	_ =	sdelay $0x3  }
0x28: {  	s15 =	simm.s32 $0x1  }
0x29: {  	_ =	swait.ge [sflag:s4], $0x2000;
	s15 =	simm.s32 @!p0 $0x0  }
0x2a: {  	[sflag:s4] =	ssyncset.done $0x0;
	s16 =	sshll.u32 s15, $0xD  }
0x2b: {  	[sflag:s4] =	ssyncadd.s32 $0xFFFFE000;
	s19 =	sor.u32 $0x20, s16  }
0x2c: {  	s15 =	smul.u32 $0x8100, s15;
	v3 =	vld [tilespmem:s19+$0x10]  }
0x2d: {  	s30 =	sand.u32 $0x1, s12;
	v2 =	vld [tilespmem:s19+$0xFFFFFFF0]  }
0x2e: {  	s16 =	smul.u32 $0x8100, s30;
	s15 =	sshrl.u32 s15, $0x2;
	v0 =	vld [tilespmem:s19+$0x0]  }
0x2f: {  	v1 =	vld [tilespmem:s19+$0xFFFFFFE0];
	s17 =	sor.u32 $0x4000, s15  }
0x30: {  	s31 =	sshrl.u32 s16, $0x2;
	s16 =	sadd.s32 $0x0, s17  }
0x31: {  	s18 =	simm.s32 $0x4;
	s19 =	sadd.s32 $0x40, s19;
	s15 =	sor.u32 $0x4000, s31;
	[tilespmem:s16+$0x1830 ss:$0x81] =	vst.msk $0xffff, v3  }
.LBB1_3:
0x32: {  	v3 =	vld [tilespmem:s19+$0x10];
	p1 =	sne.s32 s18, $0x1FC;
	[tilespmem:s16+$0x810 ss:$0x81] =	vst.msk $0xffff, v2;
	s20 =	smov.u32 s18;
	s18 =	sadd.s32 $0x4, s18  }
.Ltmp3:
0x33: {  	v2 =	vld [tilespmem:s19+$0xFFFFFFF0];
	[tilespmem:s16+$0x1020 ss:$0x81] =	vst.msk $0xffff, v0;
	(pc) =	sbr.rel @p1 .LBB1_3-.Ltmp3, $4  }
0x34: {  	v0 =	vld [tilespmem:s19+$0x0];
	[tilespmem:s16+$0x0 ss:$0x81] =	vst.msk $0xffff, v1  }
0x35: {  	s16 =	sshra.s32 s20, $0x2;
	v1 =	vld [tilespmem:s19+$0xFFFFFFE0]  }
0x36: {  	s16 =	sadd.s32 s16, s17  }
0x37: {  	s19 =	sadd.s32 $0x40, s19;
	[tilespmem:s16+$0x1830 ss:$0x81] =	vst.msk $0xffff, v3  }
.Ltmp4:
0x38: {  	_ = 	snop;
	(pc) =	sbr.rel .LBB1_4-.Ltmp4, $1  }
0x39: {  	_ =	sdelay $0x3  }
.LBB1_6:
0x3a: {  	_ =	sfence.sel $0x180000  }
0x3b: {  	s2 =	simm.s32 $0x1;
	[bflag:$0x0] =	sbarrier.arrive $0xFFFF  }
0x3c: {  	s31 =	simm.s32 $0x2;
	[sflag:s2] =	ssyncpa.u1 $0x1  }
0x3d: {  	[sflag:s31] =	ssyncpa.u1 $0x1  }
0x3e: {  	p0 =	sne.s32 s0, $0x0;
	_ =	strace $0x9000004A  }
0x3f: {  	s0 =	sadd.s32 @!p0 $0x100000, s1;
	[bflag:$0x2] =	sbarrier.arrive $0xFFFF  }
0x40: {  	[sflag:s0] =	ssyncadd.tile.s32 @!p0 $0x1;
	_ =	shalt  }
.Lfunc_end1:
_tile_overlayer_lowered:
.L_overlay_start_2:
0x41: {  	(tag) =	ssettag $0x2  }
0x42: {  	s0 =	rddreg [dreg:$0x0];
	s2 =	stileid.u32  }
0x43: {  	s1 =	rddreg [dreg:$0x1];
	p0 =	sne.s32 s2, $0x0  }
0x44: {  	s3 =	rddreg [dreg:$0x2];
	[bflag:$0x3] =	sbarrier.arrive $0xFFFF;
	s2 =	simm.s32 @!p0 $0x1C01  }
0x45: {  	[timem:s3], [sflag:s2] =	dma.local @!p0 [hbm:s0], s1  }
0x46: {  	s0 =	simm.s32 @!p0 $0x1  }
0x47: {  	_ =	swait.ge @!p0 [sflag:s0], s1  }
0x48: {  	s1 =	ssub.s32 @!p0 $0x0, s1;
	[sflag:s0] =	ssyncset.done @!p0 $0x0  }
0x49: {  	[sflag:s0] =	ssyncadd.s32 @!p0 s1  }
0x4a: {  	[bflag:$0x3] =	sbarrier.arrive $0xFFFF  }
0x4b: {  	_ =	shalt  }

</sc_bundles>
